<compile_context>
chip_gen: v7x
topology: tpu7x:2x2x1
jax: 0.10.2.dev20260603
libtpu: 0.0.44.dev20260713+nightly
codegen_flags: <defaults>
</compile_context>

<pallas_src>
import functools

import jax
import jax.numpy as jnp
from jax import lax
from jax.experimental import pallas as pl
from jax.experimental.pallas import tpu as pltpu
from jax.experimental.pallas import tpu_sc as plsc

NUM_EMB = 1000000
LATENT = 32
HIDDEN = 128

NC = 2
NS = 16
NW = NC * NS

NBUF = 2


def _sc_gather(table, x2d, batch, seq):
    n_tokens = batch * seq
    rpw = batch // NW
    nchunk = rpw // 4

    mesh = plsc.VectorSubcoreMesh(core_axis_name="c", subcore_axis_name="s")

    @functools.partial(
        pl.kernel,
        mesh=mesh,
        compiler_params=pltpu.CompilerParams(use_tc_tiling_on_sc=False),
        out_type=jax.ShapeDtypeStruct((n_tokens * LATENT // HIDDEN, HIDDEN), jnp.float32),
        scratch_types=[
            pltpu.VMEM((rpw, seq), jnp.int32),
            [[pltpu.VMEM((seq, LATENT), jnp.float32) for _ in range(4)]
             for _ in range(NBUF)],
            [pltpu.SemaphoreType.DMA for _ in range(NBUF)],
        ],
    )
    def gather_kernel(table_hbm, x_hbm, out_hbm, idx_v, bufs, sems):
        wid = lax.axis_index("s") * NC + lax.axis_index("c")
        out_base = wid * (rpw * seq * LATENT // HIDDEN)
        pltpu.sync_copy(x_hbm.at[pl.ds(wid * rpw, rpw), :], idx_v)

        def issue(j, b):
            for a in range(4):
                pltpu.async_copy(
                    table_hbm.at[idx_v.at[4 * j + a]], bufs[b][a], sems[b]
                )

        def drain(j, b):
            for a in range(4):
                pltpu.make_async_copy(
                    table_hbm.at[idx_v.at[4 * j + a]], bufs[b][a], sems[b]
                ).wait()
            for a in range(4):
                pltpu.sync_copy(
                    bufs[b][a],
                    out_hbm.at[
                        pl.ds(out_base + j * seq, seq),
                        pl.ds(a * LATENT, LATENT),
                    ],
                )

        for b in range(NBUF):
            issue(b, b)

        def body(g, carry):
            for b in range(NBUF):
                j = g * NBUF + b
                drain(j, b)
                issue(j + NBUF, b)
            return carry

        lax.fori_loop(0, nchunk // NBUF - 1, body, 0)

        for b in range(NBUF):
            drain(nchunk - NBUF + b, b)

    return gather_kernel(table, x2d)


def _tc_project(h2, w4, batch, seq):
    blk_rows = 1600
    blk_batch = blk_rows * 4 // seq
    grid = batch // blk_batch
    n_chunks = blk_batch // 4

    def mm_kernel(h_ref, w_ref, o_ref):
        m = jnp.dot(h_ref[...], w_ref[...], preferred_element_type=jnp.float32)
        m = m.reshape(n_chunks, seq, 4, HIDDEN).transpose(1, 0, 2, 3)
        o_ref[...] = m.reshape(seq, blk_batch, HIDDEN)

    out_t = pl.pallas_call(
        mm_kernel,
        grid=(grid,),
        in_specs=[
            pl.BlockSpec((blk_rows, HIDDEN), lambda i: (i, 0)),
            pl.BlockSpec((HIDDEN, 4 * HIDDEN), lambda i: (0, 0)),
        ],
        out_specs=pl.BlockSpec((seq, blk_batch, HIDDEN), lambda i: (0, i, 0)),
        out_shape=jax.ShapeDtypeStruct((seq, batch, HIDDEN), jnp.float32),
    )(h2, w4)
    return out_t.transpose(1, 0, 2)


def kernel(x, emb1_weight, emb2_weight):
    batch, seq = x.shape

    h2 = _sc_gather(emb1_weight, x, batch, seq)

    wt = emb2_weight.T
    eye4 = jnp.eye(4, dtype=jnp.float32)
    w4 = (eye4[:, None, :, None] * wt[None, :, None, :]).reshape(
        4 * LATENT, 4 * HIDDEN
    )

    return _tc_project(h2, w4, batch, seq)

# --- scband reference (transcript-rebuilt; emitter-appended) ---
"""Pipeline reference for scband-factorized-embedding-68101001445545 (READ-ONLY COPY).

The authoritative reference and input builder live on the scoring server;
editing this copy changes nothing except your own understanding.
"""

import jax, jax.numpy as jnp
import numpy as np

NUM_EMB = 1000000
HIDDEN = 128
LATENT = 32

def setup_inputs(seed: int = 0) -> dict:
    key = jax.random.key(seed)
    k1, k2, k3 = jax.random.split(key, 3)
    x = jax.random.randint(k1, (4096, 50), 0, NUM_EMB, dtype=jnp.int64 if jax.config.jax_enable_x64 else jnp.int32).astype(jnp.int32)
    emb1_weight = jax.random.normal(k2, (NUM_EMB, LATENT), dtype=jnp.float32)
    # nn.Linear(latent, hidden, bias=False): weight shape [hidden, latent]
    bound = 1.0 / np.sqrt(LATENT)
    emb2_weight = jax.random.uniform(k3, (HIDDEN, LATENT), minval=-bound, maxval=bound, dtype=jnp.float32)
    return {"x": x, "emb1_weight": emb1_weight, "emb2_weight": emb2_weight}

def reference(x, emb1_weight, emb2_weight):
    # emb1: embedding lookup
    h = jnp.take(emb1_weight, x, axis=0)  # [B, L, latent]
    # emb2: linear without bias -> h @ W.T
    out = jnp.dot(h, emb2_weight.T)  # [B, L, hidden]
    return out

if __name__ == "__main__":
    import jax
    _d = setup_inputs()
    print(jax.jit(kernel)(*tuple(_d.values())))

</pallas_src>

<mosaic_0001>
#map = affine_map<(d0, d1) -> (0, 0)>
module attributes {stable_mosaic.version = 14 : i64} {
  func.func @gather_kernel(%arg0: i32, %arg1: i32, %arg2: memref<1000000x32xf32, #tpu.memory_space<hbm>>, %arg3: memref<4096x50xi32, #tpu.memory_space<hbm>>, %arg4: memref<51200x128xf32, #tpu.memory_space<hbm>>, %arg5: memref<128x50xi32, #tpu.memory_space<vmem>>, %arg6: memref<50x32xf32, #tpu.memory_space<vmem>>, %arg7: memref<50x32xf32, #tpu.memory_space<vmem>>, %arg8: memref<50x32xf32, #tpu.memory_space<vmem>>, %arg9: memref<50x32xf32, #tpu.memory_space<vmem>>, %arg10: memref<50x32xf32, #tpu.memory_space<vmem>>, %arg11: memref<50x32xf32, #tpu.memory_space<vmem>>, %arg12: memref<50x32xf32, #tpu.memory_space<vmem>>, %arg13: memref<50x32xf32, #tpu.memory_space<vmem>>, %arg14: memref<!tpu.dma_semaphore, #tpu.memory_space<semaphore_mem>>, %arg15: memref<!tpu.dma_semaphore, #tpu.memory_space<semaphore_mem>>) attributes {dimension_semantics = [#tpu.dimension_semantics<core_parallel>, #tpu.dimension_semantics<subcore_parallel>], iteration_bounds = array<i64: 2, 16>, scalar_prefetch = 0 : i64, scratch_operands = 11 : i64, tpu.core_type = #tpu.core_type<sc_vector_subcore>, window_params = [{transform_indices = #map}, {transform_indices = #map}, {transform_indices = #map}]} {
    %mul3A = arith.constant 2 : i32
    %mul3A_0 = arith.muli %arg1, %mul3A : i32
    %add3A = arith.addi %mul3A_0, %arg0 : i32
    %mul3A_1 = arith.constant 1600 : i32
    %mul3A_2 = arith.muli %add3A, %mul3A_1 : i32
    %mul3A_3 = arith.constant 128 : i32
    %mul3A_4 = arith.muli %add3A, %mul3A_3 : i32
    "tpu.region"() ({
      %run_scoped3A = tpu.sem_alloc : memref<!tpu.dma_semaphore, #tpu.memory_space<semaphore_mem>>
      %dma_start3A_136 = arith.constant 0 : i32
      %dma_start3A_137 = tpu.memref_slice %arg3[%mul3A_4, %dma_start3A_136] : memref<4096x50xi32, #tpu.memory_space<hbm>> -> memref<128x50xi32, #tpu.memory_space<hbm>>
      %dma_start3A_138 = arith.constant 0 : i32
      %dma_start3A_139 = tpu.memref_slice %arg3[%mul3A_4, %dma_start3A_138] : memref<4096x50xi32, #tpu.memory_space<hbm>> -> memref<128x50xi32, #tpu.memory_space<hbm>>
      tpu.enqueue_dma source(%dma_start3A_139 : memref<128x50xi32, #tpu.memory_space<hbm>>) target(%arg5 : memref<128x50xi32, #tpu.memory_space<vmem>>) target_semaphore(%run_scoped3A : memref<!tpu.dma_semaphore, #tpu.memory_space<semaphore_mem>>)
      %dma_wait3A_140 = arith.constant 0 : i32
      %dma_wait3A_141 = tpu.memref_slice %arg3[%mul3A_4, %dma_wait3A_140] : memref<4096x50xi32, #tpu.memory_space<hbm>> -> memref<128x50xi32, #tpu.memory_space<hbm>>
      %dma_wait3A_142 = arith.constant 0 : i32
      %dma_wait3A_143 = tpu.memref_slice %arg3[%mul3A_4, %dma_wait3A_142] : memref<4096x50xi32, #tpu.memory_space<hbm>> -> memref<128x50xi32, #tpu.memory_space<hbm>>
      tpu.wait_dma2 semaphore(%run_scoped3A : memref<!tpu.dma_semaphore, #tpu.memory_space<semaphore_mem>>) src(%dma_wait3A_143 : memref<128x50xi32, #tpu.memory_space<hbm>>) dst(%arg5 : memref<128x50xi32, #tpu.memory_space<vmem>>)
      tpu.yield
    }) : () -> ()
    %dma_start3A = arith.constant 0 : i32
    %dma_start3A_5 = arith.constant 0 : i32
    %dma_start3A_6 = tpu.memref_slice %arg5[%dma_start3A, %dma_start3A_5] : memref<128x50xi32, #tpu.memory_space<vmem>> -> memref<1x50xi32, #tpu.memory_space<vmem>>
    %dma_start3A_7 = tpu.memref_squeeze %dma_start3A_6 : memref<1x50xi32, #tpu.memory_space<vmem>> -> memref<50xi32, #tpu.memory_space<vmem>>
    %dma_start3A_8 = arith.constant 0 : i32
    %dma_start3A_9 = arith.constant 0 : i32
    %dma_start3A_10 = tpu.memref_slice %arg2[%dma_start3A_8, %dma_start3A_9] : memref<1000000x32xf32, #tpu.memory_space<hbm>> -> memref<1000000x32xf32, #tpu.memory_space<hbm>>
    tpu.enqueue_indirect_dma source(%dma_start3A_10 : memref<1000000x32xf32, #tpu.memory_space<hbm>>) target(%arg6 : memref<50x32xf32, #tpu.memory_space<vmem>>) offsets(%dma_start3A_7 : memref<50xi32, #tpu.memory_space<vmem>>) semaphore(%arg14 : memref<!tpu.dma_semaphore, #tpu.memory_space<semaphore_mem>>)
    %dma_start3A_11 = arith.constant 1 : i32
    %dma_start3A_12 = arith.constant 0 : i32
    %dma_start3A_13 = tpu.memref_slice %arg5[%dma_start3A_11, %dma_start3A_12] : memref<128x50xi32, #tpu.memory_space<vmem>> -> memref<1x50xi32, #tpu.memory_space<vmem>>
    %dma_start3A_14 = tpu.memref_squeeze %dma_start3A_13 : memref<1x50xi32, #tpu.memory_space<vmem>> -> memref<50xi32, #tpu.memory_space<vmem>>
    %dma_start3A_15 = arith.constant 0 : i32
    %dma_start3A_16 = arith.constant 0 : i32
    %dma_start3A_17 = tpu.memref_slice %arg2[%dma_start3A_15, %dma_start3A_16] : memref<1000000x32xf32, #tpu.memory_space<hbm>> -> memref<1000000x32xf32, #tpu.memory_space<hbm>>
    tpu.enqueue_indirect_dma source(%dma_start3A_17 : memref<1000000x32xf32, #tpu.memory_space<hbm>>) target(%arg7 : memref<50x32xf32, #tpu.memory_space<vmem>>) offsets(%dma_start3A_14 : memref<50xi32, #tpu.memory_space<vmem>>) semaphore(%arg14 : memref<!tpu.dma_semaphore, #tpu.memory_space<semaphore_mem>>)
    %dma_start3A_18 = arith.constant 2 : i32
    %dma_start3A_19 = arith.constant 0 : i32
    %dma_start3A_20 = tpu.memref_slice %arg5[%dma_start3A_18, %dma_start3A_19] : memref<128x50xi32, #tpu.memory_space<vmem>> -> memref<1x50xi32, #tpu.memory_space<vmem>>
    %dma_start3A_21 = tpu.memref_squeeze %dma_start3A_20 : memref<1x50xi32, #tpu.memory_space<vmem>> -> memref<50xi32, #tpu.memory_space<vmem>>
    %dma_start3A_22 = arith.constant 0 : i32
    %dma_start3A_23 = arith.constant 0 : i32
    %dma_start3A_24 = tpu.memref_slice %arg2[%dma_start3A_22, %dma_start3A_23] : memref<1000000x32xf32, #tpu.memory_space<hbm>> -> memref<1000000x32xf32, #tpu.memory_space<hbm>>
    tpu.enqueue_indirect_dma source(%dma_start3A_24 : memref<1000000x32xf32, #tpu.memory_space<hbm>>) target(%arg8 : memref<50x32xf32, #tpu.memory_space<vmem>>) offsets(%dma_start3A_21 : memref<50xi32, #tpu.memory_space<vmem>>) semaphore(%arg14 : memref<!tpu.dma_semaphore, #tpu.memory_space<semaphore_mem>>)
    %dma_start3A_25 = arith.constant 3 : i32
    %dma_start3A_26 = arith.constant 0 : i32
    %dma_start3A_27 = tpu.memref_slice %arg5[%dma_start3A_25, %dma_start3A_26] : memref<128x50xi32, #tpu.memory_space<vmem>> -> memref<1x50xi32, #tpu.memory_space<vmem>>
    %dma_start3A_28 = tpu.memref_squeeze %dma_start3A_27 : memref<1x50xi32, #tpu.memory_space<vmem>> -> memref<50xi32, #tpu.memory_space<vmem>>
    %dma_start3A_29 = arith.constant 0 : i32
    %dma_start3A_30 = arith.constant 0 : i32
    %dma_start3A_31 = tpu.memref_slice %arg2[%dma_start3A_29, %dma_start3A_30] : memref<1000000x32xf32, #tpu.memory_space<hbm>> -> memref<1000000x32xf32, #tpu.memory_space<hbm>>
    tpu.enqueue_indirect_dma source(%dma_start3A_31 : memref<1000000x32xf32, #tpu.memory_space<hbm>>) target(%arg9 : memref<50x32xf32, #tpu.memory_space<vmem>>) offsets(%dma_start3A_28 : memref<50xi32, #tpu.memory_space<vmem>>) semaphore(%arg14 : memref<!tpu.dma_semaphore, #tpu.memory_space<semaphore_mem>>)
    %dma_start3A_32 = arith.constant 4 : i32
    %dma_start3A_33 = arith.constant 0 : i32
    %dma_start3A_34 = tpu.memref_slice %arg5[%dma_start3A_32, %dma_start3A_33] : memref<128x50xi32, #tpu.memory_space<vmem>> -> memref<1x50xi32, #tpu.memory_space<vmem>>
    %dma_start3A_35 = tpu.memref_squeeze %dma_start3A_34 : memref<1x50xi32, #tpu.memory_space<vmem>> -> memref<50xi32, #tpu.memory_space<vmem>>
    %dma_start3A_36 = arith.constant 0 : i32
    %dma_start3A_37 = arith.constant 0 : i32
    %dma_start3A_38 = tpu.memref_slice %arg2[%dma_start3A_36, %dma_start3A_37] : memref<1000000x32xf32, #tpu.memory_space<hbm>> -> memref<1000000x32xf32, #tpu.memory_space<hbm>>
    tpu.enqueue_indirect_dma source(%dma_start3A_38 : memref<1000000x32xf32, #tpu.memory_space<hbm>>) target(%arg10 : memref<50x32xf32, #tpu.memory_space<vmem>>) offsets(%dma_start3A_35 : memref<50xi32, #tpu.memory_space<vmem>>) semaphore(%arg15 : memref<!tpu.dma_semaphore, #tpu.memory_space<semaphore_mem>>)
    %dma_start3A_39 = arith.constant 5 : i32
    %dma_start3A_40 = arith.constant 0 : i32
    %dma_start3A_41 = tpu.memref_slice %arg5[%dma_start3A_39, %dma_start3A_40] : memref<128x50xi32, #tpu.memory_space<vmem>> -> memref<1x50xi32, #tpu.memory_space<vmem>>
    %dma_start3A_42 = tpu.memref_squeeze %dma_start3A_41 : memref<1x50xi32, #tpu.memory_space<vmem>> -> memref<50xi32, #tpu.memory_space<vmem>>
    %dma_start3A_43 = arith.constant 0 : i32
    %dma_start3A_44 = arith.constant 0 : i32
    %dma_start3A_45 = tpu.memref_slice %arg2[%dma_start3A_43, %dma_start3A_44] : memref<1000000x32xf32, #tpu.memory_space<hbm>> -> memref<1000000x32xf32, #tpu.memory_space<hbm>>
    tpu.enqueue_indirect_dma source(%dma_start3A_45 : memref<1000000x32xf32, #tpu.memory_space<hbm>>) target(%arg11 : memref<50x32xf32, #tpu.memory_space<vmem>>) offsets(%dma_start3A_42 : memref<50xi32, #tpu.memory_space<vmem>>) semaphore(%arg15 : memref<!tpu.dma_semaphore, #tpu.memory_space<semaphore_mem>>)
    %dma_start3A_46 = arith.constant 6 : i32
    %dma_start3A_47 = arith.constant 0 : i32
    %dma_start3A_48 = tpu.memref_slice %arg5[%dma_start3A_46, %dma_start3A_47] : memref<128x50xi32, #tpu.memory_space<vmem>> -> memref<1x50xi32, #tpu.memory_space<vmem>>
    %dma_start3A_49 = tpu.memref_squeeze %dma_start3A_48 : memref<1x50xi32, #tpu.memory_space<vmem>> -> memref<50xi32, #tpu.memory_space<vmem>>
    %dma_start3A_50 = arith.constant 0 : i32
    %dma_start3A_51 = arith.constant 0 : i32
    %dma_start3A_52 = tpu.memref_slice %arg2[%dma_start3A_50, %dma_start3A_51] : memref<1000000x32xf32, #tpu.memory_space<hbm>> -> memref<1000000x32xf32, #tpu.memory_space<hbm>>
    tpu.enqueue_indirect_dma source(%dma_start3A_52 : memref<1000000x32xf32, #tpu.memory_space<hbm>>) target(%arg12 : memref<50x32xf32, #tpu.memory_space<vmem>>) offsets(%dma_start3A_49 : memref<50xi32, #tpu.memory_space<vmem>>) semaphore(%arg15 : memref<!tpu.dma_semaphore, #tpu.memory_space<semaphore_mem>>)
    %dma_start3A_53 = arith.constant 7 : i32
    %dma_start3A_54 = arith.constant 0 : i32
    %dma_start3A_55 = tpu.memref_slice %arg5[%dma_start3A_53, %dma_start3A_54] : memref<128x50xi32, #tpu.memory_space<vmem>> -> memref<1x50xi32, #tpu.memory_space<vmem>>
    %dma_start3A_56 = tpu.memref_squeeze %dma_start3A_55 : memref<1x50xi32, #tpu.memory_space<vmem>> -> memref<50xi32, #tpu.memory_space<vmem>>
    %dma_start3A_57 = arith.constant 0 : i32
    %dma_start3A_58 = arith.constant 0 : i32
    %dma_start3A_59 = tpu.memref_slice %arg2[%dma_start3A_57, %dma_start3A_58] : memref<1000000x32xf32, #tpu.memory_space<hbm>> -> memref<1000000x32xf32, #tpu.memory_space<hbm>>
    tpu.enqueue_indirect_dma source(%dma_start3A_59 : memref<1000000x32xf32, #tpu.memory_space<hbm>>) target(%arg13 : memref<50x32xf32, #tpu.memory_space<vmem>>) offsets(%dma_start3A_56 : memref<50xi32, #tpu.memory_space<vmem>>) semaphore(%arg15 : memref<!tpu.dma_semaphore, #tpu.memory_space<semaphore_mem>>)
    %scan3A = arith.constant 0 : i32
    %scan3A_60 = arith.constant 0 : i32
    %scan3A_61 = arith.constant 15 : i32
    %scan3A_62 = arith.addi %scan3A_60, %scan3A_61 : i32
    %scan3A_63 = arith.constant 1 : i32
    scf.for %scan3A_136 = %scan3A_60 to %scan3A_62 step %scan3A_63  : i32 {
      %mul3A_137 = arith.constant 2 : i32
      %mul3A_138 = arith.muli %scan3A_136, %mul3A_137 : i32
      %add3A_139 = arith.constant 0 : i32
      %add3A_140 = arith.addi %mul3A_138, %add3A_139 : i32
      %mul3A_141 = arith.constant 4 : i32
      %mul3A_142 = arith.muli %mul3A_141, %add3A_140 : i32
      %add3A_143 = arith.constant 0 : i32
      %add3A_144 = arith.addi %mul3A_142, %add3A_143 : i32
      %dma_wait3A_145 = arith.constant 0 : i32
      %dma_wait3A_146 = tpu.memref_slice %arg5[%add3A_144, %dma_wait3A_145] : memref<128x50xi32, #tpu.memory_space<vmem>> -> memref<1x50xi32, #tpu.memory_space<vmem>>
      %dma_wait3A_147 = tpu.memref_squeeze %dma_wait3A_146 : memref<1x50xi32, #tpu.memory_space<vmem>> -> memref<50xi32, #tpu.memory_space<vmem>>
      %dma_wait3A_148 = arith.constant 0 : i32
      %dma_wait3A_149 = arith.constant 0 : i32
      %dma_wait3A_150 = tpu.memref_slice %arg2[%dma_wait3A_148, %dma_wait3A_149] : memref<1000000x32xf32, #tpu.memory_space<hbm>> -> memref<1000000x32xf32, #tpu.memory_space<hbm>>
      tpu.wait_indirect_dma semaphore(%arg14 : memref<!tpu.dma_semaphore, #tpu.memory_space<semaphore_mem>>) src(%dma_wait3A_150 : memref<1000000x32xf32, #tpu.memory_space<hbm>>) dst(%arg6 : memref<50x32xf32, #tpu.memory_space<vmem>>)
      %mul3A_151 = arith.constant 4 : i32
      %mul3A_152 = arith.muli %mul3A_151, %add3A_140 : i32
      %add3A_153 = arith.constant 1 : i32
      %add3A_154 = arith.addi %mul3A_152, %add3A_153 : i32
      %dma_wait3A_155 = arith.constant 0 : i32
      %dma_wait3A_156 = tpu.memref_slice %arg5[%add3A_154, %dma_wait3A_155] : memref<128x50xi32, #tpu.memory_space<vmem>> -> memref<1x50xi32, #tpu.memory_space<vmem>>
      %dma_wait3A_157 = tpu.memref_squeeze %dma_wait3A_156 : memref<1x50xi32, #tpu.memory_space<vmem>> -> memref<50xi32, #tpu.memory_space<vmem>>
      %dma_wait3A_158 = arith.constant 0 : i32
      %dma_wait3A_159 = arith.constant 0 : i32
      %dma_wait3A_160 = tpu.memref_slice %arg2[%dma_wait3A_158, %dma_wait3A_159] : memref<1000000x32xf32, #tpu.memory_space<hbm>> -> memref<1000000x32xf32, #tpu.memory_space<hbm>>
      tpu.wait_indirect_dma semaphore(%arg14 : memref<!tpu.dma_semaphore, #tpu.memory_space<semaphore_mem>>) src(%dma_wait3A_160 : memref<1000000x32xf32, #tpu.memory_space<hbm>>) dst(%arg7 : memref<50x32xf32, #tpu.memory_space<vmem>>)
      %mul3A_161 = arith.constant 4 : i32
      %mul3A_162 = arith.muli %mul3A_161, %add3A_140 : i32
      %add3A_163 = arith.constant 2 : i32
      %add3A_164 = arith.addi %mul3A_162, %add3A_163 : i32
      %dma_wait3A_165 = arith.constant 0 : i32
      %dma_wait3A_166 = tpu.memref_slice %arg5[%add3A_164, %dma_wait3A_165] : memref<128x50xi32, #tpu.memory_space<vmem>> -> memref<1x50xi32, #tpu.memory_space<vmem>>
      %dma_wait3A_167 = tpu.memref_squeeze %dma_wait3A_166 : memref<1x50xi32, #tpu.memory_space<vmem>> -> memref<50xi32, #tpu.memory_space<vmem>>
      %dma_wait3A_168 = arith.constant 0 : i32
      %dma_wait3A_169 = arith.constant 0 : i32
      %dma_wait3A_170 = tpu.memref_slice %arg2[%dma_wait3A_168, %dma_wait3A_169] : memref<1000000x32xf32, #tpu.memory_space<hbm>> -> memref<1000000x32xf32, #tpu.memory_space<hbm>>
      tpu.wait_indirect_dma semaphore(%arg14 : memref<!tpu.dma_semaphore, #tpu.memory_space<semaphore_mem>>) src(%dma_wait3A_170 : memref<1000000x32xf32, #tpu.memory_space<hbm>>) dst(%arg8 : memref<50x32xf32, #tpu.memory_space<vmem>>)
      %mul3A_171 = arith.constant 4 : i32
      %mul3A_172 = arith.muli %mul3A_171, %add3A_140 : i32
      %add3A_173 = arith.constant 3 : i32
      %add3A_174 = arith.addi %mul3A_172, %add3A_173 : i32
      %dma_wait3A_175 = arith.constant 0 : i32
      %dma_wait3A_176 = tpu.memref_slice %arg5[%add3A_174, %dma_wait3A_175] : memref<128x50xi32, #tpu.memory_space<vmem>> -> memref<1x50xi32, #tpu.memory_space<vmem>>
      %dma_wait3A_177 = tpu.memref_squeeze %dma_wait3A_176 : memref<1x50xi32, #tpu.memory_space<vmem>> -> memref<50xi32, #tpu.memory_space<vmem>>
      %dma_wait3A_178 = arith.constant 0 : i32
      %dma_wait3A_179 = arith.constant 0 : i32
      %dma_wait3A_180 = tpu.memref_slice %arg2[%dma_wait3A_178, %dma_wait3A_179] : memref<1000000x32xf32, #tpu.memory_space<hbm>> -> memref<1000000x32xf32, #tpu.memory_space<hbm>>
      tpu.wait_indirect_dma semaphore(%arg14 : memref<!tpu.dma_semaphore, #tpu.memory_space<semaphore_mem>>) src(%dma_wait3A_180 : memref<1000000x32xf32, #tpu.memory_space<hbm>>) dst(%arg9 : memref<50x32xf32, #tpu.memory_space<vmem>>)
      %mul3A_181 = arith.constant 50 : i32
      %mul3A_182 = arith.muli %add3A_140, %mul3A_181 : i32
      %add3A_183 = arith.addi %mul3A_2, %mul3A_182 : i32
      "tpu.region"() ({
        %run_scoped3A = tpu.sem_alloc : memref<!tpu.dma_semaphore, #tpu.memory_space<semaphore_mem>>
        %dma_start3A_333 = arith.constant 0 : i32
        %dma_start3A_334 = tpu.memref_slice %arg4[%add3A_183, %dma_start3A_333] : memref<51200x128xf32, #tpu.memory_space<hbm>> -> memref<50x32xf32, #tpu.memory_space<hbm>>
        %dma_start3A_335 = arith.constant 0 : i32
        %dma_start3A_336 = tpu.memref_slice %arg4[%add3A_183, %dma_start3A_335] : memref<51200x128xf32, #tpu.memory_space<hbm>> -> memref<50x32xf32, #tpu.memory_space<hbm>>
        tpu.enqueue_dma source(%arg6 : memref<50x32xf32, #tpu.memory_space<vmem>>) target(%dma_start3A_336 : memref<50x32xf32, #tpu.memory_space<hbm>>) target_semaphore(%run_scoped3A : memref<!tpu.dma_semaphore, #tpu.memory_space<semaphore_mem>>)
        %dma_wait3A_337 = arith.constant 0 : i32
        %dma_wait3A_338 = tpu.memref_slice %arg4[%add3A_183, %dma_wait3A_337] : memref<51200x128xf32, #tpu.memory_space<hbm>> -> memref<50x32xf32, #tpu.memory_space<hbm>>
        %dma_wait3A_339 = arith.constant 0 : i32
        %dma_wait3A_340 = tpu.memref_slice %arg4[%add3A_183, %dma_wait3A_339] : memref<51200x128xf32, #tpu.memory_space<hbm>> -> memref<50x32xf32, #tpu.memory_space<hbm>>
        tpu.wait_dma2 semaphore(%run_scoped3A : memref<!tpu.dma_semaphore, #tpu.memory_space<semaphore_mem>>) src(%arg6 : memref<50x32xf32, #tpu.memory_space<vmem>>) dst(%dma_wait3A_340 : memref<50x32xf32, #tpu.memory_space<hbm>>)
        tpu.yield
      }) : () -> ()
      %mul3A_184 = arith.constant 50 : i32
      %mul3A_185 = arith.muli %add3A_140, %mul3A_184 : i32
      %add3A_186 = arith.addi %mul3A_2, %mul3A_185 : i32
      "tpu.region"() ({
        %run_scoped3A = tpu.sem_alloc : memref<!tpu.dma_semaphore, #tpu.memory_space<semaphore_mem>>
        %dma_start3A_333 = arith.constant 32 : i32
        %dma_start3A_334 = tpu.memref_slice %arg4[%add3A_186, %dma_start3A_333] : memref<51200x128xf32, #tpu.memory_space<hbm>> -> memref<50x32xf32, #tpu.memory_space<hbm>>
        %dma_start3A_335 = arith.constant 32 : i32
        %dma_start3A_336 = tpu.memref_slice %arg4[%add3A_186, %dma_start3A_335] : memref<51200x128xf32, #tpu.memory_space<hbm>> -> memref<50x32xf32, #tpu.memory_space<hbm>>
        tpu.enqueue_dma source(%arg7 : memref<50x32xf32, #tpu.memory_space<vmem>>) target(%dma_start3A_336 : memref<50x32xf32, #tpu.memory_space<hbm>>) target_semaphore(%run_scoped3A : memref<!tpu.dma_semaphore, #tpu.memory_space<semaphore_mem>>)
        %dma_wait3A_337 = arith.constant 32 : i32
        %dma_wait3A_338 = tpu.memref_slice %arg4[%add3A_186, %dma_wait3A_337] : memref<51200x128xf32, #tpu.memory_space<hbm>> -> memref<50x32xf32, #tpu.memory_space<hbm>>
        %dma_wait3A_339 = arith.constant 32 : i32
        %dma_wait3A_340 = tpu.memref_slice %arg4[%add3A_186, %dma_wait3A_339] : memref<51200x128xf32, #tpu.memory_space<hbm>> -> memref<50x32xf32, #tpu.memory_space<hbm>>
        tpu.wait_dma2 semaphore(%run_scoped3A : memref<!tpu.dma_semaphore, #tpu.memory_space<semaphore_mem>>) src(%arg7 : memref<50x32xf32, #tpu.memory_space<vmem>>) dst(%dma_wait3A_340 : memref<50x32xf32, #tpu.memory_space<hbm>>)
        tpu.yield
      }) : () -> ()
      %mul3A_187 = arith.constant 50 : i32
      %mul3A_188 = arith.muli %add3A_140, %mul3A_187 : i32
      %add3A_189 = arith.addi %mul3A_2, %mul3A_188 : i32
      "tpu.region"() ({
        %run_scoped3A = tpu.sem_alloc : memref<!tpu.dma_semaphore, #tpu.memory_space<semaphore_mem>>
        %dma_start3A_333 = arith.constant 64 : i32
        %dma_start3A_334 = tpu.memref_slice %arg4[%add3A_189, %dma_start3A_333] : memref<51200x128xf32, #tpu.memory_space<hbm>> -> memref<50x32xf32, #tpu.memory_space<hbm>>
        %dma_start3A_335 = arith.constant 64 : i32
        %dma_start3A_336 = tpu.memref_slice %arg4[%add3A_189, %dma_start3A_335] : memref<51200x128xf32, #tpu.memory_space<hbm>> -> memref<50x32xf32, #tpu.memory_space<hbm>>
        tpu.enqueue_dma source(%arg8 : memref<50x32xf32, #tpu.memory_space<vmem>>) target(%dma_start3A_336 : memref<50x32xf32, #tpu.memory_space<hbm>>) target_semaphore(%run_scoped3A : memref<!tpu.dma_semaphore, #tpu.memory_space<semaphore_mem>>)
        %dma_wait3A_337 = arith.constant 64 : i32
        %dma_wait3A_338 = tpu.memref_slice %arg4[%add3A_189, %dma_wait3A_337] : memref<51200x128xf32, #tpu.memory_space<hbm>> -> memref<50x32xf32, #tpu.memory_space<hbm>>
        %dma_wait3A_339 = arith.constant 64 : i32
        %dma_wait3A_340 = tpu.memref_slice %arg4[%add3A_189, %dma_wait3A_339] : memref<51200x128xf32, #tpu.memory_space<hbm>> -> memref<50x32xf32, #tpu.memory_space<hbm>>
        tpu.wait_dma2 semaphore(%run_scoped3A : memref<!tpu.dma_semaphore, #tpu.memory_space<semaphore_mem>>) src(%arg8 : memref<50x32xf32, #tpu.memory_space<vmem>>) dst(%dma_wait3A_340 : memref<50x32xf32, #tpu.memory_space<hbm>>)
        tpu.yield
      }) : () -> ()
      %mul3A_190 = arith.constant 50 : i32
      %mul3A_191 = arith.muli %add3A_140, %mul3A_190 : i32
      %add3A_192 = arith.addi %mul3A_2, %mul3A_191 : i32
      "tpu.region"() ({
        %run_scoped3A = tpu.sem_alloc : memref<!tpu.dma_semaphore, #tpu.memory_space<semaphore_mem>>
        %dma_start3A_333 = arith.constant 96 : i32
        %dma_start3A_334 = tpu.memref_slice %arg4[%add3A_192, %dma_start3A_333] : memref<51200x128xf32, #tpu.memory_space<hbm>> -> memref<50x32xf32, #tpu.memory_space<hbm>>
        %dma_start3A_335 = arith.constant 96 : i32
        %dma_start3A_336 = tpu.memref_slice %arg4[%add3A_192, %dma_start3A_335] : memref<51200x128xf32, #tpu.memory_space<hbm>> -> memref<50x32xf32, #tpu.memory_space<hbm>>
        tpu.enqueue_dma source(%arg9 : memref<50x32xf32, #tpu.memory_space<vmem>>) target(%dma_start3A_336 : memref<50x32xf32, #tpu.memory_space<hbm>>) target_semaphore(%run_scoped3A : memref<!tpu.dma_semaphore, #tpu.memory_space<semaphore_mem>>)
        %dma_wait3A_337 = arith.constant 96 : i32
        %dma_wait3A_338 = tpu.memref_slice %arg4[%add3A_192, %dma_wait3A_337] : memref<51200x128xf32, #tpu.memory_space<hbm>> -> memref<50x32xf32, #tpu.memory_space<hbm>>
        %dma_wait3A_339 = arith.constant 96 : i32
        %dma_wait3A_340 = tpu.memref_slice %arg4[%add3A_192, %dma_wait3A_339] : memref<51200x128xf32, #tpu.memory_space<hbm>> -> memref<50x32xf32, #tpu.memory_space<hbm>>
        tpu.wait_dma2 semaphore(%run_scoped3A : memref<!tpu.dma_semaphore, #tpu.memory_space<semaphore_mem>>) src(%arg9 : memref<50x32xf32, #tpu.memory_space<vmem>>) dst(%dma_wait3A_340 : memref<50x32xf32, #tpu.memory_space<hbm>>)
        tpu.yield
      }) : () -> ()
      %add3A_193 = arith.constant 2 : i32
      %add3A_194 = arith.addi %add3A_140, %add3A_193 : i32
      %mul3A_195 = arith.constant 4 : i32
      %mul3A_196 = arith.muli %mul3A_195, %add3A_194 : i32
      %add3A_197 = arith.constant 0 : i32
      %add3A_198 = arith.addi %mul3A_196, %add3A_197 : i32
      %dma_start3A_199 = arith.constant 0 : i32
      %dma_start3A_200 = tpu.memref_slice %arg5[%add3A_198, %dma_start3A_199] : memref<128x50xi32, #tpu.memory_space<vmem>> -> memref<1x50xi32, #tpu.memory_space<vmem>>
      %dma_start3A_201 = tpu.memref_squeeze %dma_start3A_200 : memref<1x50xi32, #tpu.memory_space<vmem>> -> memref<50xi32, #tpu.memory_space<vmem>>
      %dma_start3A_202 = arith.constant 0 : i32
      %dma_start3A_203 = arith.constant 0 : i32
      %dma_start3A_204 = tpu.memref_slice %arg2[%dma_start3A_202, %dma_start3A_203] : memref<1000000x32xf32, #tpu.memory_space<hbm>> -> memref<1000000x32xf32, #tpu.memory_space<hbm>>
      tpu.enqueue_indirect_dma source(%dma_start3A_204 : memref<1000000x32xf32, #tpu.memory_space<hbm>>) target(%arg6 : memref<50x32xf32, #tpu.memory_space<vmem>>) offsets(%dma_start3A_201 : memref<50xi32, #tpu.memory_space<vmem>>) semaphore(%arg14 : memref<!tpu.dma_semaphore, #tpu.memory_space<semaphore_mem>>)
      %mul3A_205 = arith.constant 4 : i32
      %mul3A_206 = arith.muli %mul3A_205, %add3A_194 : i32
      %add3A_207 = arith.constant 1 : i32
      %add3A_208 = arith.addi %mul3A_206, %add3A_207 : i32
      %dma_start3A_209 = arith.constant 0 : i32
      %dma_start3A_210 = tpu.memref_slice %arg5[%add3A_208, %dma_start3A_209] : memref<128x50xi32, #tpu.memory_space<vmem>> -> memref<1x50xi32, #tpu.memory_space<vmem>>
      %dma_start3A_211 = tpu.memref_squeeze %dma_start3A_210 : memref<1x50xi32, #tpu.memory_space<vmem>> -> memref<50xi32, #tpu.memory_space<vmem>>
      %dma_start3A_212 = arith.constant 0 : i32
      %dma_start3A_213 = arith.constant 0 : i32
      %dma_start3A_214 = tpu.memref_slice %arg2[%dma_start3A_212, %dma_start3A_213] : memref<1000000x32xf32, #tpu.memory_space<hbm>> -> memref<1000000x32xf32, #tpu.memory_space<hbm>>
      tpu.enqueue_indirect_dma source(%dma_start3A_214 : memref<1000000x32xf32, #tpu.memory_space<hbm>>) target(%arg7 : memref<50x32xf32, #tpu.memory_space<vmem>>) offsets(%dma_start3A_211 : memref<50xi32, #tpu.memory_space<vmem>>) semaphore(%arg14 : memref<!tpu.dma_semaphore, #tpu.memory_space<semaphore_mem>>)
      %mul3A_215 = arith.constant 4 : i32
      %mul3A_216 = arith.muli %mul3A_215, %add3A_194 : i32
      %add3A_217 = arith.constant 2 : i32
      %add3A_218 = arith.addi %mul3A_216, %add3A_217 : i32
      %dma_start3A_219 = arith.constant 0 : i32
      %dma_start3A_220 = tpu.memref_slice %arg5[%add3A_218, %dma_start3A_219] : memref<128x50xi32, #tpu.memory_space<vmem>> -> memref<1x50xi32, #tpu.memory_space<vmem>>
      %dma_start3A_221 = tpu.memref_squeeze %dma_start3A_220 : memref<1x50xi32, #tpu.memory_space<vmem>> -> memref<50xi32, #tpu.memory_space<vmem>>
      %dma_start3A_222 = arith.constant 0 : i32
      %dma_start3A_223 = arith.constant 0 : i32
      %dma_start3A_224 = tpu.memref_slice %arg2[%dma_start3A_222, %dma_start3A_223] : memref<1000000x32xf32, #tpu.memory_space<hbm>> -> memref<1000000x32xf32, #tpu.memory_space<hbm>>
      tpu.enqueue_indirect_dma source(%dma_start3A_224 : memref<1000000x32xf32, #tpu.memory_space<hbm>>) target(%arg8 : memref<50x32xf32, #tpu.memory_space<vmem>>) offsets(%dma_start3A_221 : memref<50xi32, #tpu.memory_space<vmem>>) semaphore(%arg14 : memref<!tpu.dma_semaphore, #tpu.memory_space<semaphore_mem>>)
      %mul3A_225 = arith.constant 4 : i32
      %mul3A_226 = arith.muli %mul3A_225, %add3A_194 : i32
      %add3A_227 = arith.constant 3 : i32
      %add3A_228 = arith.addi %mul3A_226, %add3A_227 : i32
      %dma_start3A_229 = arith.constant 0 : i32
      %dma_start3A_230 = tpu.memref_slice %arg5[%add3A_228, %dma_start3A_229] : memref<128x50xi32, #tpu.memory_space<vmem>> -> memref<1x50xi32, #tpu.memory_space<vmem>>
      %dma_start3A_231 = tpu.memref_squeeze %dma_start3A_230 : memref<1x50xi32, #tpu.memory_space<vmem>> -> memref<50xi32, #tpu.memory_space<vmem>>
      %dma_start3A_232 = arith.constant 0 : i32
      %dma_start3A_233 = arith.constant 0 : i32
      %dma_start3A_234 = tpu.memref_slice %arg2[%dma_start3A_232, %dma_start3A_233] : memref<1000000x32xf32, #tpu.memory_space<hbm>> -> memref<1000000x32xf32, #tpu.memory_space<hbm>>
      tpu.enqueue_indirect_dma source(%dma_start3A_234 : memref<1000000x32xf32, #tpu.memory_space<hbm>>) target(%arg9 : memref<50x32xf32, #tpu.memory_space<vmem>>) offsets(%dma_start3A_231 : memref<50xi32, #tpu.memory_space<vmem>>) semaphore(%arg14 : memref<!tpu.dma_semaphore, #tpu.memory_space<semaphore_mem>>)
      %mul3A_235 = arith.constant 2 : i32
      %mul3A_236 = arith.muli %scan3A_136, %mul3A_235 : i32
      %add3A_237 = arith.constant 1 : i32
      %add3A_238 = arith.addi %mul3A_236, %add3A_237 : i32
      %mul3A_239 = arith.constant 4 : i32
      %mul3A_240 = arith.muli %mul3A_239, %add3A_238 : i32
      %add3A_241 = arith.constant 0 : i32
      %add3A_242 = arith.addi %mul3A_240, %add3A_241 : i32
      %dma_wait3A_243 = arith.constant 0 : i32
      %dma_wait3A_244 = tpu.memref_slice %arg5[%add3A_242, %dma_wait3A_243] : memref<128x50xi32, #tpu.memory_space<vmem>> -> memref<1x50xi32, #tpu.memory_space<vmem>>
      %dma_wait3A_245 = tpu.memref_squeeze %dma_wait3A_244 : memref<1x50xi32, #tpu.memory_space<vmem>> -> memref<50xi32, #tpu.memory_space<vmem>>
      %dma_wait3A_246 = arith.constant 0 : i32
      %dma_wait3A_247 = arith.constant 0 : i32
      %dma_wait3A_248 = tpu.memref_slice %arg2[%dma_wait3A_246, %dma_wait3A_247] : memref<1000000x32xf32, #tpu.memory_space<hbm>> -> memref<1000000x32xf32, #tpu.memory_space<hbm>>
      tpu.wait_indirect_dma semaphore(%arg15 : memref<!tpu.dma_semaphore, #tpu.memory_space<semaphore_mem>>) src(%dma_wait3A_248 : memref<1000000x32xf32, #tpu.memory_space<hbm>>) dst(%arg10 : memref<50x32xf32, #tpu.memory_space<vmem>>)
      %mul3A_249 = arith.constant 4 : i32
      %mul3A_250 = arith.muli %mul3A_249, %add3A_238 : i32
      %add3A_251 = arith.constant 1 : i32
      %add3A_252 = arith.addi %mul3A_250, %add3A_251 : i32
      %dma_wait3A_253 = arith.constant 0 : i32
      %dma_wait3A_254 = tpu.memref_slice %arg5[%add3A_252, %dma_wait3A_253] : memref<128x50xi32, #tpu.memory_space<vmem>> -> memref<1x50xi32, #tpu.memory_space<vmem>>
      %dma_wait3A_255 = tpu.memref_squeeze %dma_wait3A_254 : memref<1x50xi32, #tpu.memory_space<vmem>> -> memref<50xi32, #tpu.memory_space<vmem>>
      %dma_wait3A_256 = arith.constant 0 : i32
      %dma_wait3A_257 = arith.constant 0 : i32
      %dma_wait3A_258 = tpu.memref_slice %arg2[%dma_wait3A_256, %dma_wait3A_257] : memref<1000000x32xf32, #tpu.memory_space<hbm>> -> memref<1000000x32xf32, #tpu.memory_space<hbm>>
      tpu.wait_indirect_dma semaphore(%arg15 : memref<!tpu.dma_semaphore, #tpu.memory_space<semaphore_mem>>) src(%dma_wait3A_258 : memref<1000000x32xf32, #tpu.memory_space<hbm>>) dst(%arg11 : memref<50x32xf32, #tpu.memory_space<vmem>>)
      %mul3A_259 = arith.constant 4 : i32
      %mul3A_260 = arith.muli %mul3A_259, %add3A_238 : i32
      %add3A_261 = arith.constant 2 : i32
      %add3A_262 = arith.addi %mul3A_260, %add3A_261 : i32
      %dma_wait3A_263 = arith.constant 0 : i32
      %dma_wait3A_264 = tpu.memref_slice %arg5[%add3A_262, %dma_wait3A_263] : memref<128x50xi32, #tpu.memory_space<vmem>> -> memref<1x50xi32, #tpu.memory_space<vmem>>
      %dma_wait3A_265 = tpu.memref_squeeze %dma_wait3A_264 : memref<1x50xi32, #tpu.memory_space<vmem>> -> memref<50xi32, #tpu.memory_space<vmem>>
      %dma_wait3A_266 = arith.constant 0 : i32
      %dma_wait3A_267 = arith.constant 0 : i32
      %dma_wait3A_268 = tpu.memref_slice %arg2[%dma_wait3A_266, %dma_wait3A_267] : memref<1000000x32xf32, #tpu.memory_space<hbm>> -> memref<1000000x32xf32, #tpu.memory_space<hbm>>
      tpu.wait_indirect_dma semaphore(%arg15 : memref<!tpu.dma_semaphore, #tpu.memory_space<semaphore_mem>>) src(%dma_wait3A_268 : memref<1000000x32xf32, #tpu.memory_space<hbm>>) dst(%arg12 : memref<50x32xf32, #tpu.memory_space<vmem>>)
      %mul3A_269 = arith.constant 4 : i32
      %mul3A_270 = arith.muli %mul3A_269, %add3A_238 : i32
      %add3A_271 = arith.constant 3 : i32
      %add3A_272 = arith.addi %mul3A_270, %add3A_271 : i32
      %dma_wait3A_273 = arith.constant 0 : i32
      %dma_wait3A_274 = tpu.memref_slice %arg5[%add3A_272, %dma_wait3A_273] : memref<128x50xi32, #tpu.memory_space<vmem>> -> memref<1x50xi32, #tpu.memory_space<vmem>>
      %dma_wait3A_275 = tpu.memref_squeeze %dma_wait3A_274 : memref<1x50xi32, #tpu.memory_space<vmem>> -> memref<50xi32, #tpu.memory_space<vmem>>
      %dma_wait3A_276 = arith.constant 0 : i32
      %dma_wait3A_277 = arith.constant 0 : i32
      %dma_wait3A_278 = tpu.memref_slice %arg2[%dma_wait3A_276, %dma_wait3A_277] : memref<1000000x32xf32, #tpu.memory_space<hbm>> -> memref<1000000x32xf32, #tpu.memory_space<hbm>>
      tpu.wait_indirect_dma semaphore(%arg15 : memref<!tpu.dma_semaphore, #tpu.memory_space<semaphore_mem>>) src(%dma_wait3A_278 : memref<1000000x32xf32, #tpu.memory_space<hbm>>) dst(%arg13 : memref<50x32xf32, #tpu.memory_space<vmem>>)
      %mul3A_279 = arith.constant 50 : i32
      %mul3A_280 = arith.muli %add3A_238, %mul3A_279 : i32
      %add3A_281 = arith.addi %mul3A_2, %mul3A_280 : i32
      "tpu.region"() ({
        %run_scoped3A = tpu.sem_alloc : memref<!tpu.dma_semaphore, #tpu.memory_space<semaphore_mem>>
        %dma_start3A_333 = arith.constant 0 : i32
        %dma_start3A_334 = tpu.memref_slice %arg4[%add3A_281, %dma_start3A_333] : memref<51200x128xf32, #tpu.memory_space<hbm>> -> memref<50x32xf32, #tpu.memory_space<hbm>>
        %dma_start3A_335 = arith.constant 0 : i32
        %dma_start3A_336 = tpu.memref_slice %arg4[%add3A_281, %dma_start3A_335] : memref<51200x128xf32, #tpu.memory_space<hbm>> -> memref<50x32xf32, #tpu.memory_space<hbm>>
        tpu.enqueue_dma source(%arg10 : memref<50x32xf32, #tpu.memory_space<vmem>>) target(%dma_start3A_336 : memref<50x32xf32, #tpu.memory_space<hbm>>) target_semaphore(%run_scoped3A : memref<!tpu.dma_semaphore, #tpu.memory_space<semaphore_mem>>)
        %dma_wait3A_337 = arith.constant 0 : i32
        %dma_wait3A_338 = tpu.memref_slice %arg4[%add3A_281, %dma_wait3A_337] : memref<51200x128xf32, #tpu.memory_space<hbm>> -> memref<50x32xf32, #tpu.memory_space<hbm>>
        %dma_wait3A_339 = arith.constant 0 : i32
        %dma_wait3A_340 = tpu.memref_slice %arg4[%add3A_281, %dma_wait3A_339] : memref<51200x128xf32, #tpu.memory_space<hbm>> -> memref<50x32xf32, #tpu.memory_space<hbm>>
        tpu.wait_dma2 semaphore(%run_scoped3A : memref<!tpu.dma_semaphore, #tpu.memory_space<semaphore_mem>>) src(%arg10 : memref<50x32xf32, #tpu.memory_space<vmem>>) dst(%dma_wait3A_340 : memref<50x32xf32, #tpu.memory_space<hbm>>)
        tpu.yield
      }) : () -> ()
      %mul3A_282 = arith.constant 50 : i32
      %mul3A_283 = arith.muli %add3A_238, %mul3A_282 : i32
      %add3A_284 = arith.addi %mul3A_2, %mul3A_283 : i32
      "tpu.region"() ({
        %run_scoped3A = tpu.sem_alloc : memref<!tpu.dma_semaphore, #tpu.memory_space<semaphore_mem>>
        %dma_start3A_333 = arith.constant 32 : i32
        %dma_start3A_334 = tpu.memref_slice %arg4[%add3A_284, %dma_start3A_333] : memref<51200x128xf32, #tpu.memory_space<hbm>> -> memref<50x32xf32, #tpu.memory_space<hbm>>
        %dma_start3A_335 = arith.constant 32 : i32
        %dma_start3A_336 = tpu.memref_slice %arg4[%add3A_284, %dma_start3A_335] : memref<51200x128xf32, #tpu.memory_space<hbm>> -> memref<50x32xf32, #tpu.memory_space<hbm>>
        tpu.enqueue_dma source(%arg11 : memref<50x32xf32, #tpu.memory_space<vmem>>) target(%dma_start3A_336 : memref<50x32xf32, #tpu.memory_space<hbm>>) target_semaphore(%run_scoped3A : memref<!tpu.dma_semaphore, #tpu.memory_space<semaphore_mem>>)
        %dma_wait3A_337 = arith.constant 32 : i32
        %dma_wait3A_338 = tpu.memref_slice %arg4[%add3A_284, %dma_wait3A_337] : memref<51200x128xf32, #tpu.memory_space<hbm>> -> memref<50x32xf32, #tpu.memory_space<hbm>>
        %dma_wait3A_339 = arith.constant 32 : i32
        %dma_wait3A_340 = tpu.memref_slice %arg4[%add3A_284, %dma_wait3A_339] : memref<51200x128xf32, #tpu.memory_space<hbm>> -> memref<50x32xf32, #tpu.memory_space<hbm>>
        tpu.wait_dma2 semaphore(%run_scoped3A : memref<!tpu.dma_semaphore, #tpu.memory_space<semaphore_mem>>) src(%arg11 : memref<50x32xf32, #tpu.memory_space<vmem>>) dst(%dma_wait3A_340 : memref<50x32xf32, #tpu.memory_space<hbm>>)
        tpu.yield
      }) : () -> ()
      %mul3A_285 = arith.constant 50 : i32
      %mul3A_286 = arith.muli %add3A_238, %mul3A_285 : i32
      %add3A_287 = arith.addi %mul3A_2, %mul3A_286 : i32
      "tpu.region"() ({
        %run_scoped3A = tpu.sem_alloc : memref<!tpu.dma_semaphore, #tpu.memory_space<semaphore_mem>>
        %dma_start3A_333 = arith.constant 64 : i32
        %dma_start3A_334 = tpu.memref_slice %arg4[%add3A_287, %dma_start3A_333] : memref<51200x128xf32, #tpu.memory_space<hbm>> -> memref<50x32xf32, #tpu.memory_space<hbm>>
        %dma_start3A_335 = arith.constant 64 : i32
        %dma_start3A_336 = tpu.memref_slice %arg4[%add3A_287, %dma_start3A_335] : memref<51200x128xf32, #tpu.memory_space<hbm>> -> memref<50x32xf32, #tpu.memory_space<hbm>>
        tpu.enqueue_dma source(%arg12 : memref<50x32xf32, #tpu.memory_space<vmem>>) target(%dma_start3A_336 : memref<50x32xf32, #tpu.memory_space<hbm>>) target_semaphore(%run_scoped3A : memref<!tpu.dma_semaphore, #tpu.memory_space<semaphore_mem>>)
        %dma_wait3A_337 = arith.constant 64 : i32
        %dma_wait3A_338 = tpu.memref_slice %arg4[%add3A_287, %dma_wait3A_337] : memref<51200x128xf32, #tpu.memory_space<hbm>> -> memref<50x32xf32, #tpu.memory_space<hbm>>
        %dma_wait3A_339 = arith.constant 64 : i32
        %dma_wait3A_340 = tpu.memref_slice %arg4[%add3A_287, %dma_wait3A_339] : memref<51200x128xf32, #tpu.memory_space<hbm>> -> memref<50x32xf32, #tpu.memory_space<hbm>>
        tpu.wait_dma2 semaphore(%run_scoped3A : memref<!tpu.dma_semaphore, #tpu.memory_space<semaphore_mem>>) src(%arg12 : memref<50x32xf32, #tpu.memory_space<vmem>>) dst(%dma_wait3A_340 : memref<50x32xf32, #tpu.memory_space<hbm>>)
        tpu.yield
      }) : () -> ()
      %mul3A_288 = arith.constant 50 : i32
      %mul3A_289 = arith.muli %add3A_238, %mul3A_288 : i32
      %add3A_290 = arith.addi %mul3A_2, %mul3A_289 : i32
      "tpu.region"() ({
        %run_scoped3A = tpu.sem_alloc : memref<!tpu.dma_semaphore, #tpu.memory_space<semaphore_mem>>
        %dma_start3A_333 = arith.constant 96 : i32
        %dma_start3A_334 = tpu.memref_slice %arg4[%add3A_290, %dma_start3A_333] : memref<51200x128xf32, #tpu.memory_space<hbm>> -> memref<50x32xf32, #tpu.memory_space<hbm>>
        %dma_start3A_335 = arith.constant 96 : i32
        %dma_start3A_336 = tpu.memref_slice %arg4[%add3A_290, %dma_start3A_335] : memref<51200x128xf32, #tpu.memory_space<hbm>> -> memref<50x32xf32, #tpu.memory_space<hbm>>
        tpu.enqueue_dma source(%arg13 : memref<50x32xf32, #tpu.memory_space<vmem>>) target(%dma_start3A_336 : memref<50x32xf32, #tpu.memory_space<hbm>>) target_semaphore(%run_scoped3A : memref<!tpu.dma_semaphore, #tpu.memory_space<semaphore_mem>>)
        %dma_wait3A_337 = arith.constant 96 : i32
        %dma_wait3A_338 = tpu.memref_slice %arg4[%add3A_290, %dma_wait3A_337] : memref<51200x128xf32, #tpu.memory_space<hbm>> -> memref<50x32xf32, #tpu.memory_space<hbm>>
        %dma_wait3A_339 = arith.constant 96 : i32
        %dma_wait3A_340 = tpu.memref_slice %arg4[%add3A_290, %dma_wait3A_339] : memref<51200x128xf32, #tpu.memory_space<hbm>> -> memref<50x32xf32, #tpu.memory_space<hbm>>
        tpu.wait_dma2 semaphore(%run_scoped3A : memref<!tpu.dma_semaphore, #tpu.memory_space<semaphore_mem>>) src(%arg13 : memref<50x32xf32, #tpu.memory_space<vmem>>) dst(%dma_wait3A_340 : memref<50x32xf32, #tpu.memory_space<hbm>>)
        tpu.yield
      }) : () -> ()
      %add3A_291 = arith.constant 2 : i32
      %add3A_292 = arith.addi %add3A_238, %add3A_291 : i32
      %mul3A_293 = arith.constant 4 : i32
      %mul3A_294 = arith.muli %mul3A_293, %add3A_292 : i32
      %add3A_295 = arith.constant 0 : i32
      %add3A_296 = arith.addi %mul3A_294, %add3A_295 : i32
      %dma_start3A_297 = arith.constant 0 : i32
      %dma_start3A_298 = tpu.memref_slice %arg5[%add3A_296, %dma_start3A_297] : memref<128x50xi32, #tpu.memory_space<vmem>> -> memref<1x50xi32, #tpu.memory_space<vmem>>
      %dma_start3A_299 = tpu.memref_squeeze %dma_start3A_298 : memref<1x50xi32, #tpu.memory_space<vmem>> -> memref<50xi32, #tpu.memory_space<vmem>>
      %dma_start3A_300 = arith.constant 0 : i32
      %dma_start3A_301 = arith.constant 0 : i32
      %dma_start3A_302 = tpu.memref_slice %arg2[%dma_start3A_300, %dma_start3A_301] : memref<1000000x32xf32, #tpu.memory_space<hbm>> -> memref<1000000x32xf32, #tpu.memory_space<hbm>>
      tpu.enqueue_indirect_dma source(%dma_start3A_302 : memref<1000000x32xf32, #tpu.memory_space<hbm>>) target(%arg10 : memref<50x32xf32, #tpu.memory_space<vmem>>) offsets(%dma_start3A_299 : memref<50xi32, #tpu.memory_space<vmem>>) semaphore(%arg15 : memref<!tpu.dma_semaphore, #tpu.memory_space<semaphore_mem>>)
      %mul3A_303 = arith.constant 4 : i32
      %mul3A_304 = arith.muli %mul3A_303, %add3A_292 : i32
      %add3A_305 = arith.constant 1 : i32
      %add3A_306 = arith.addi %mul3A_304, %add3A_305 : i32
      %dma_start3A_307 = arith.constant 0 : i32
      %dma_start3A_308 = tpu.memref_slice %arg5[%add3A_306, %dma_start3A_307] : memref<128x50xi32, #tpu.memory_space<vmem>> -> memref<1x50xi32, #tpu.memory_space<vmem>>
      %dma_start3A_309 = tpu.memref_squeeze %dma_start3A_308 : memref<1x50xi32, #tpu.memory_space<vmem>> -> memref<50xi32, #tpu.memory_space<vmem>>
      %dma_start3A_310 = arith.constant 0 : i32
      %dma_start3A_311 = arith.constant 0 : i32
      %dma_start3A_312 = tpu.memref_slice %arg2[%dma_start3A_310, %dma_start3A_311] : memref<1000000x32xf32, #tpu.memory_space<hbm>> -> memref<1000000x32xf32, #tpu.memory_space<hbm>>
      tpu.enqueue_indirect_dma source(%dma_start3A_312 : memref<1000000x32xf32, #tpu.memory_space<hbm>>) target(%arg11 : memref<50x32xf32, #tpu.memory_space<vmem>>) offsets(%dma_start3A_309 : memref<50xi32, #tpu.memory_space<vmem>>) semaphore(%arg15 : memref<!tpu.dma_semaphore, #tpu.memory_space<semaphore_mem>>)
      %mul3A_313 = arith.constant 4 : i32
      %mul3A_314 = arith.muli %mul3A_313, %add3A_292 : i32
      %add3A_315 = arith.constant 2 : i32
      %add3A_316 = arith.addi %mul3A_314, %add3A_315 : i32
      %dma_start3A_317 = arith.constant 0 : i32
      %dma_start3A_318 = tpu.memref_slice %arg5[%add3A_316, %dma_start3A_317] : memref<128x50xi32, #tpu.memory_space<vmem>> -> memref<1x50xi32, #tpu.memory_space<vmem>>
      %dma_start3A_319 = tpu.memref_squeeze %dma_start3A_318 : memref<1x50xi32, #tpu.memory_space<vmem>> -> memref<50xi32, #tpu.memory_space<vmem>>
      %dma_start3A_320 = arith.constant 0 : i32
      %dma_start3A_321 = arith.constant 0 : i32
      %dma_start3A_322 = tpu.memref_slice %arg2[%dma_start3A_320, %dma_start3A_321] : memref<1000000x32xf32, #tpu.memory_space<hbm>> -> memref<1000000x32xf32, #tpu.memory_space<hbm>>
      tpu.enqueue_indirect_dma source(%dma_start3A_322 : memref<1000000x32xf32, #tpu.memory_space<hbm>>) target(%arg12 : memref<50x32xf32, #tpu.memory_space<vmem>>) offsets(%dma_start3A_319 : memref<50xi32, #tpu.memory_space<vmem>>) semaphore(%arg15 : memref<!tpu.dma_semaphore, #tpu.memory_space<semaphore_mem>>)
      %mul3A_323 = arith.constant 4 : i32
      %mul3A_324 = arith.muli %mul3A_323, %add3A_292 : i32
      %add3A_325 = arith.constant 3 : i32
      %add3A_326 = arith.addi %mul3A_324, %add3A_325 : i32
      %dma_start3A_327 = arith.constant 0 : i32
      %dma_start3A_328 = tpu.memref_slice %arg5[%add3A_326, %dma_start3A_327] : memref<128x50xi32, #tpu.memory_space<vmem>> -> memref<1x50xi32, #tpu.memory_space<vmem>>
      %dma_start3A_329 = tpu.memref_squeeze %dma_start3A_328 : memref<1x50xi32, #tpu.memory_space<vmem>> -> memref<50xi32, #tpu.memory_space<vmem>>
      %dma_start3A_330 = arith.constant 0 : i32
      %dma_start3A_331 = arith.constant 0 : i32
      %dma_start3A_332 = tpu.memref_slice %arg2[%dma_start3A_330, %dma_start3A_331] : memref<1000000x32xf32, #tpu.memory_space<hbm>> -> memref<1000000x32xf32, #tpu.memory_space<hbm>>
      tpu.enqueue_indirect_dma source(%dma_start3A_332 : memref<1000000x32xf32, #tpu.memory_space<hbm>>) target(%arg13 : memref<50x32xf32, #tpu.memory_space<vmem>>) offsets(%dma_start3A_329 : memref<50xi32, #tpu.memory_space<vmem>>) semaphore(%arg15 : memref<!tpu.dma_semaphore, #tpu.memory_space<semaphore_mem>>)
    }
    %scan3A_64 = arith.constant 15 : i32
    %dma_wait3A = arith.constant 120 : i32
    %dma_wait3A_65 = arith.constant 0 : i32
    %dma_wait3A_66 = tpu.memref_slice %arg5[%dma_wait3A, %dma_wait3A_65] : memref<128x50xi32, #tpu.memory_space<vmem>> -> memref<1x50xi32, #tpu.memory_space<vmem>>
    %dma_wait3A_67 = tpu.memref_squeeze %dma_wait3A_66 : memref<1x50xi32, #tpu.memory_space<vmem>> -> memref<50xi32, #tpu.memory_space<vmem>>
    %dma_wait3A_68 = arith.constant 0 : i32
    %dma_wait3A_69 = arith.constant 0 : i32
    %dma_wait3A_70 = tpu.memref_slice %arg2[%dma_wait3A_68, %dma_wait3A_69] : memref<1000000x32xf32, #tpu.memory_space<hbm>> -> memref<1000000x32xf32, #tpu.memory_space<hbm>>
    tpu.wait_indirect_dma semaphore(%arg14 : memref<!tpu.dma_semaphore, #tpu.memory_space<semaphore_mem>>) src(%dma_wait3A_70 : memref<1000000x32xf32, #tpu.memory_space<hbm>>) dst(%arg6 : memref<50x32xf32, #tpu.memory_space<vmem>>)
    %dma_wait3A_71 = arith.constant 121 : i32
    %dma_wait3A_72 = arith.constant 0 : i32
    %dma_wait3A_73 = tpu.memref_slice %arg5[%dma_wait3A_71, %dma_wait3A_72] : memref<128x50xi32, #tpu.memory_space<vmem>> -> memref<1x50xi32, #tpu.memory_space<vmem>>
    %dma_wait3A_74 = tpu.memref_squeeze %dma_wait3A_73 : memref<1x50xi32, #tpu.memory_space<vmem>> -> memref<50xi32, #tpu.memory_space<vmem>>
    %dma_wait3A_75 = arith.constant 0 : i32
    %dma_wait3A_76 = arith.constant 0 : i32
    %dma_wait3A_77 = tpu.memref_slice %arg2[%dma_wait3A_75, %dma_wait3A_76] : memref<1000000x32xf32, #tpu.memory_space<hbm>> -> memref<1000000x32xf32, #tpu.memory_space<hbm>>
    tpu.wait_indirect_dma semaphore(%arg14 : memref<!tpu.dma_semaphore, #tpu.memory_space<semaphore_mem>>) src(%dma_wait3A_77 : memref<1000000x32xf32, #tpu.memory_space<hbm>>) dst(%arg7 : memref<50x32xf32, #tpu.memory_space<vmem>>)
    %dma_wait3A_78 = arith.constant 122 : i32
    %dma_wait3A_79 = arith.constant 0 : i32
    %dma_wait3A_80 = tpu.memref_slice %arg5[%dma_wait3A_78, %dma_wait3A_79] : memref<128x50xi32, #tpu.memory_space<vmem>> -> memref<1x50xi32, #tpu.memory_space<vmem>>
    %dma_wait3A_81 = tpu.memref_squeeze %dma_wait3A_80 : memref<1x50xi32, #tpu.memory_space<vmem>> -> memref<50xi32, #tpu.memory_space<vmem>>
    %dma_wait3A_82 = arith.constant 0 : i32
    %dma_wait3A_83 = arith.constant 0 : i32
    %dma_wait3A_84 = tpu.memref_slice %arg2[%dma_wait3A_82, %dma_wait3A_83] : memref<1000000x32xf32, #tpu.memory_space<hbm>> -> memref<1000000x32xf32, #tpu.memory_space<hbm>>
    tpu.wait_indirect_dma semaphore(%arg14 : memref<!tpu.dma_semaphore, #tpu.memory_space<semaphore_mem>>) src(%dma_wait3A_84 : memref<1000000x32xf32, #tpu.memory_space<hbm>>) dst(%arg8 : memref<50x32xf32, #tpu.memory_space<vmem>>)
    %dma_wait3A_85 = arith.constant 123 : i32
    %dma_wait3A_86 = arith.constant 0 : i32
    %dma_wait3A_87 = tpu.memref_slice %arg5[%dma_wait3A_85, %dma_wait3A_86] : memref<128x50xi32, #tpu.memory_space<vmem>> -> memref<1x50xi32, #tpu.memory_space<vmem>>
    %dma_wait3A_88 = tpu.memref_squeeze %dma_wait3A_87 : memref<1x50xi32, #tpu.memory_space<vmem>> -> memref<50xi32, #tpu.memory_space<vmem>>
    %dma_wait3A_89 = arith.constant 0 : i32
    %dma_wait3A_90 = arith.constant 0 : i32
    %dma_wait3A_91 = tpu.memref_slice %arg2[%dma_wait3A_89, %dma_wait3A_90] : memref<1000000x32xf32, #tpu.memory_space<hbm>> -> memref<1000000x32xf32, #tpu.memory_space<hbm>>
    tpu.wait_indirect_dma semaphore(%arg14 : memref<!tpu.dma_semaphore, #tpu.memory_space<semaphore_mem>>) src(%dma_wait3A_91 : memref<1000000x32xf32, #tpu.memory_space<hbm>>) dst(%arg9 : memref<50x32xf32, #tpu.memory_space<vmem>>)
    %add3A_92 = arith.constant 1500 : i32
    %add3A_93 = arith.addi %mul3A_2, %add3A_92 : i32
    "tpu.region"() ({
      %run_scoped3A = tpu.sem_alloc : memref<!tpu.dma_semaphore, #tpu.memory_space<semaphore_mem>>
      %dma_start3A_136 = arith.constant 0 : i32
      %dma_start3A_137 = tpu.memref_slice %arg4[%add3A_93, %dma_start3A_136] : memref<51200x128xf32, #tpu.memory_space<hbm>> -> memref<50x32xf32, #tpu.memory_space<hbm>>
      %dma_start3A_138 = arith.constant 0 : i32
      %dma_start3A_139 = tpu.memref_slice %arg4[%add3A_93, %dma_start3A_138] : memref<51200x128xf32, #tpu.memory_space<hbm>> -> memref<50x32xf32, #tpu.memory_space<hbm>>
      tpu.enqueue_dma source(%arg6 : memref<50x32xf32, #tpu.memory_space<vmem>>) target(%dma_start3A_139 : memref<50x32xf32, #tpu.memory_space<hbm>>) target_semaphore(%run_scoped3A : memref<!tpu.dma_semaphore, #tpu.memory_space<semaphore_mem>>)
      %dma_wait3A_140 = arith.constant 0 : i32
      %dma_wait3A_141 = tpu.memref_slice %arg4[%add3A_93, %dma_wait3A_140] : memref<51200x128xf32, #tpu.memory_space<hbm>> -> memref<50x32xf32, #tpu.memory_space<hbm>>
      %dma_wait3A_142 = arith.constant 0 : i32
      %dma_wait3A_143 = tpu.memref_slice %arg4[%add3A_93, %dma_wait3A_142] : memref<51200x128xf32, #tpu.memory_space<hbm>> -> memref<50x32xf32, #tpu.memory_space<hbm>>
      tpu.wait_dma2 semaphore(%run_scoped3A : memref<!tpu.dma_semaphore, #tpu.memory_space<semaphore_mem>>) src(%arg6 : memref<50x32xf32, #tpu.memory_space<vmem>>) dst(%dma_wait3A_143 : memref<50x32xf32, #tpu.memory_space<hbm>>)
      tpu.yield
    }) : () -> ()
    %add3A_94 = arith.constant 1500 : i32
    %add3A_95 = arith.addi %mul3A_2, %add3A_94 : i32
    "tpu.region"() ({
      %run_scoped3A = tpu.sem_alloc : memref<!tpu.dma_semaphore, #tpu.memory_space<semaphore_mem>>
      %dma_start3A_136 = arith.constant 32 : i32
      %dma_start3A_137 = tpu.memref_slice %arg4[%add3A_95, %dma_start3A_136] : memref<51200x128xf32, #tpu.memory_space<hbm>> -> memref<50x32xf32, #tpu.memory_space<hbm>>
      %dma_start3A_138 = arith.constant 32 : i32
      %dma_start3A_139 = tpu.memref_slice %arg4[%add3A_95, %dma_start3A_138] : memref<51200x128xf32, #tpu.memory_space<hbm>> -> memref<50x32xf32, #tpu.memory_space<hbm>>
      tpu.enqueue_dma source(%arg7 : memref<50x32xf32, #tpu.memory_space<vmem>>) target(%dma_start3A_139 : memref<50x32xf32, #tpu.memory_space<hbm>>) target_semaphore(%run_scoped3A : memref<!tpu.dma_semaphore, #tpu.memory_space<semaphore_mem>>)
      %dma_wait3A_140 = arith.constant 32 : i32
      %dma_wait3A_141 = tpu.memref_slice %arg4[%add3A_95, %dma_wait3A_140] : memref<51200x128xf32, #tpu.memory_space<hbm>> -> memref<50x32xf32, #tpu.memory_space<hbm>>
      %dma_wait3A_142 = arith.constant 32 : i32
      %dma_wait3A_143 = tpu.memref_slice %arg4[%add3A_95, %dma_wait3A_142] : memref<51200x128xf32, #tpu.memory_space<hbm>> -> memref<50x32xf32, #tpu.memory_space<hbm>>
      tpu.wait_dma2 semaphore(%run_scoped3A : memref<!tpu.dma_semaphore, #tpu.memory_space<semaphore_mem>>) src(%arg7 : memref<50x32xf32, #tpu.memory_space<vmem>>) dst(%dma_wait3A_143 : memref<50x32xf32, #tpu.memory_space<hbm>>)
      tpu.yield
    }) : () -> ()
    %add3A_96 = arith.constant 1500 : i32
    %add3A_97 = arith.addi %mul3A_2, %add3A_96 : i32
    "tpu.region"() ({
      %run_scoped3A = tpu.sem_alloc : memref<!tpu.dma_semaphore, #tpu.memory_space<semaphore_mem>>
      %dma_start3A_136 = arith.constant 64 : i32
      %dma_start3A_137 = tpu.memref_slice %arg4[%add3A_97, %dma_start3A_136] : memref<51200x128xf32, #tpu.memory_space<hbm>> -> memref<50x32xf32, #tpu.memory_space<hbm>>
      %dma_start3A_138 = arith.constant 64 : i32
      %dma_start3A_139 = tpu.memref_slice %arg4[%add3A_97, %dma_start3A_138] : memref<51200x128xf32, #tpu.memory_space<hbm>> -> memref<50x32xf32, #tpu.memory_space<hbm>>
      tpu.enqueue_dma source(%arg8 : memref<50x32xf32, #tpu.memory_space<vmem>>) target(%dma_start3A_139 : memref<50x32xf32, #tpu.memory_space<hbm>>) target_semaphore(%run_scoped3A : memref<!tpu.dma_semaphore, #tpu.memory_space<semaphore_mem>>)
      %dma_wait3A_140 = arith.constant 64 : i32
      %dma_wait3A_141 = tpu.memref_slice %arg4[%add3A_97, %dma_wait3A_140] : memref<51200x128xf32, #tpu.memory_space<hbm>> -> memref<50x32xf32, #tpu.memory_space<hbm>>
      %dma_wait3A_142 = arith.constant 64 : i32
      %dma_wait3A_143 = tpu.memref_slice %arg4[%add3A_97, %dma_wait3A_142] : memref<51200x128xf32, #tpu.memory_space<hbm>> -> memref<50x32xf32, #tpu.memory_space<hbm>>
      tpu.wait_dma2 semaphore(%run_scoped3A : memref<!tpu.dma_semaphore, #tpu.memory_space<semaphore_mem>>) src(%arg8 : memref<50x32xf32, #tpu.memory_space<vmem>>) dst(%dma_wait3A_143 : memref<50x32xf32, #tpu.memory_space<hbm>>)
      tpu.yield
    }) : () -> ()
    %add3A_98 = arith.constant 1500 : i32
    %add3A_99 = arith.addi %mul3A_2, %add3A_98 : i32
    "tpu.region"() ({
      %run_scoped3A = tpu.sem_alloc : memref<!tpu.dma_semaphore, #tpu.memory_space<semaphore_mem>>
      %dma_start3A_136 = arith.constant 96 : i32
      %dma_start3A_137 = tpu.memref_slice %arg4[%add3A_99, %dma_start3A_136] : memref<51200x128xf32, #tpu.memory_space<hbm>> -> memref<50x32xf32, #tpu.memory_space<hbm>>
      %dma_start3A_138 = arith.constant 96 : i32
      %dma_start3A_139 = tpu.memref_slice %arg4[%add3A_99, %dma_start3A_138] : memref<51200x128xf32, #tpu.memory_space<hbm>> -> memref<50x32xf32, #tpu.memory_space<hbm>>
      tpu.enqueue_dma source(%arg9 : memref<50x32xf32, #tpu.memory_space<vmem>>) target(%dma_start3A_139 : memref<50x32xf32, #tpu.memory_space<hbm>>) target_semaphore(%run_scoped3A : memref<!tpu.dma_semaphore, #tpu.memory_space<semaphore_mem>>)
      %dma_wait3A_140 = arith.constant 96 : i32
      %dma_wait3A_141 = tpu.memref_slice %arg4[%add3A_99, %dma_wait3A_140] : memref<51200x128xf32, #tpu.memory_space<hbm>> -> memref<50x32xf32, #tpu.memory_space<hbm>>
      %dma_wait3A_142 = arith.constant 96 : i32
      %dma_wait3A_143 = tpu.memref_slice %arg4[%add3A_99, %dma_wait3A_142] : memref<51200x128xf32, #tpu.memory_space<hbm>> -> memref<50x32xf32, #tpu.memory_space<hbm>>
      tpu.wait_dma2 semaphore(%run_scoped3A : memref<!tpu.dma_semaphore, #tpu.memory_space<semaphore_mem>>) src(%arg9 : memref<50x32xf32, #tpu.memory_space<vmem>>) dst(%dma_wait3A_143 : memref<50x32xf32, #tpu.memory_space<hbm>>)
      tpu.yield
    }) : () -> ()
    %dma_wait3A_100 = arith.constant 124 : i32
    %dma_wait3A_101 = arith.constant 0 : i32
    %dma_wait3A_102 = tpu.memref_slice %arg5[%dma_wait3A_100, %dma_wait3A_101] : memref<128x50xi32, #tpu.memory_space<vmem>> -> memref<1x50xi32, #tpu.memory_space<vmem>>
    %dma_wait3A_103 = tpu.memref_squeeze %dma_wait3A_102 : memref<1x50xi32, #tpu.memory_space<vmem>> -> memref<50xi32, #tpu.memory_space<vmem>>
    %dma_wait3A_104 = arith.constant 0 : i32
    %dma_wait3A_105 = arith.constant 0 : i32
    %dma_wait3A_106 = tpu.memref_slice %arg2[%dma_wait3A_104, %dma_wait3A_105] : memref<1000000x32xf32, #tpu.memory_space<hbm>> -> memref<1000000x32xf32, #tpu.memory_space<hbm>>
    tpu.wait_indirect_dma semaphore(%arg15 : memref<!tpu.dma_semaphore, #tpu.memory_space<semaphore_mem>>) src(%dma_wait3A_106 : memref<1000000x32xf32, #tpu.memory_space<hbm>>) dst(%arg10 : memref<50x32xf32, #tpu.memory_space<vmem>>)
    %dma_wait3A_107 = arith.constant 125 : i32
    %dma_wait3A_108 = arith.constant 0 : i32
    %dma_wait3A_109 = tpu.memref_slice %arg5[%dma_wait3A_107, %dma_wait3A_108] : memref<128x50xi32, #tpu.memory_space<vmem>> -> memref<1x50xi32, #tpu.memory_space<vmem>>
    %dma_wait3A_110 = tpu.memref_squeeze %dma_wait3A_109 : memref<1x50xi32, #tpu.memory_space<vmem>> -> memref<50xi32, #tpu.memory_space<vmem>>
    %dma_wait3A_111 = arith.constant 0 : i32
    %dma_wait3A_112 = arith.constant 0 : i32
    %dma_wait3A_113 = tpu.memref_slice %arg2[%dma_wait3A_111, %dma_wait3A_112] : memref<1000000x32xf32, #tpu.memory_space<hbm>> -> memref<1000000x32xf32, #tpu.memory_space<hbm>>
    tpu.wait_indirect_dma semaphore(%arg15 : memref<!tpu.dma_semaphore, #tpu.memory_space<semaphore_mem>>) src(%dma_wait3A_113 : memref<1000000x32xf32, #tpu.memory_space<hbm>>) dst(%arg11 : memref<50x32xf32, #tpu.memory_space<vmem>>)
    %dma_wait3A_114 = arith.constant 126 : i32
    %dma_wait3A_115 = arith.constant 0 : i32
    %dma_wait3A_116 = tpu.memref_slice %arg5[%dma_wait3A_114, %dma_wait3A_115] : memref<128x50xi32, #tpu.memory_space<vmem>> -> memref<1x50xi32, #tpu.memory_space<vmem>>
    %dma_wait3A_117 = tpu.memref_squeeze %dma_wait3A_116 : memref<1x50xi32, #tpu.memory_space<vmem>> -> memref<50xi32, #tpu.memory_space<vmem>>
    %dma_wait3A_118 = arith.constant 0 : i32
    %dma_wait3A_119 = arith.constant 0 : i32
    %dma_wait3A_120 = tpu.memref_slice %arg2[%dma_wait3A_118, %dma_wait3A_119] : memref<1000000x32xf32, #tpu.memory_space<hbm>> -> memref<1000000x32xf32, #tpu.memory_space<hbm>>
    tpu.wait_indirect_dma semaphore(%arg15 : memref<!tpu.dma_semaphore, #tpu.memory_space<semaphore_mem>>) src(%dma_wait3A_120 : memref<1000000x32xf32, #tpu.memory_space<hbm>>) dst(%arg12 : memref<50x32xf32, #tpu.memory_space<vmem>>)
    %dma_wait3A_121 = arith.constant 127 : i32
    %dma_wait3A_122 = arith.constant 0 : i32
    %dma_wait3A_123 = tpu.memref_slice %arg5[%dma_wait3A_121, %dma_wait3A_122] : memref<128x50xi32, #tpu.memory_space<vmem>> -> memref<1x50xi32, #tpu.memory_space<vmem>>
    %dma_wait3A_124 = tpu.memref_squeeze %dma_wait3A_123 : memref<1x50xi32, #tpu.memory_space<vmem>> -> memref<50xi32, #tpu.memory_space<vmem>>
    %dma_wait3A_125 = arith.constant 0 : i32
    %dma_wait3A_126 = arith.constant 0 : i32
    %dma_wait3A_127 = tpu.memref_slice %arg2[%dma_wait3A_125, %dma_wait3A_126] : memref<1000000x32xf32, #tpu.memory_space<hbm>> -> memref<1000000x32xf32, #tpu.memory_space<hbm>>
    tpu.wait_indirect_dma semaphore(%arg15 : memref<!tpu.dma_semaphore, #tpu.memory_space<semaphore_mem>>) src(%dma_wait3A_127 : memref<1000000x32xf32, #tpu.memory_space<hbm>>) dst(%arg13 : memref<50x32xf32, #tpu.memory_space<vmem>>)
    %add3A_128 = arith.constant 1550 : i32
    %add3A_129 = arith.addi %mul3A_2, %add3A_128 : i32
    "tpu.region"() ({
      %run_scoped3A = tpu.sem_alloc : memref<!tpu.dma_semaphore, #tpu.memory_space<semaphore_mem>>
      %dma_start3A_136 = arith.constant 0 : i32
      %dma_start3A_137 = tpu.memref_slice %arg4[%add3A_129, %dma_start3A_136] : memref<51200x128xf32, #tpu.memory_space<hbm>> -> memref<50x32xf32, #tpu.memory_space<hbm>>
      %dma_start3A_138 = arith.constant 0 : i32
      %dma_start3A_139 = tpu.memref_slice %arg4[%add3A_129, %dma_start3A_138] : memref<51200x128xf32, #tpu.memory_space<hbm>> -> memref<50x32xf32, #tpu.memory_space<hbm>>
      tpu.enqueue_dma source(%arg10 : memref<50x32xf32, #tpu.memory_space<vmem>>) target(%dma_start3A_139 : memref<50x32xf32, #tpu.memory_space<hbm>>) target_semaphore(%run_scoped3A : memref<!tpu.dma_semaphore, #tpu.memory_space<semaphore_mem>>)
      %dma_wait3A_140 = arith.constant 0 : i32
      %dma_wait3A_141 = tpu.memref_slice %arg4[%add3A_129, %dma_wait3A_140] : memref<51200x128xf32, #tpu.memory_space<hbm>> -> memref<50x32xf32, #tpu.memory_space<hbm>>
      %dma_wait3A_142 = arith.constant 0 : i32
      %dma_wait3A_143 = tpu.memref_slice %arg4[%add3A_129, %dma_wait3A_142] : memref<51200x128xf32, #tpu.memory_space<hbm>> -> memref<50x32xf32, #tpu.memory_space<hbm>>
      tpu.wait_dma2 semaphore(%run_scoped3A : memref<!tpu.dma_semaphore, #tpu.memory_space<semaphore_mem>>) src(%arg10 : memref<50x32xf32, #tpu.memory_space<vmem>>) dst(%dma_wait3A_143 : memref<50x32xf32, #tpu.memory_space<hbm>>)
      tpu.yield
    }) : () -> ()
    %add3A_130 = arith.constant 1550 : i32
    %add3A_131 = arith.addi %mul3A_2, %add3A_130 : i32
    "tpu.region"() ({
      %run_scoped3A = tpu.sem_alloc : memref<!tpu.dma_semaphore, #tpu.memory_space<semaphore_mem>>
      %dma_start3A_136 = arith.constant 32 : i32
      %dma_start3A_137 = tpu.memref_slice %arg4[%add3A_131, %dma_start3A_136] : memref<51200x128xf32, #tpu.memory_space<hbm>> -> memref<50x32xf32, #tpu.memory_space<hbm>>
      %dma_start3A_138 = arith.constant 32 : i32
      %dma_start3A_139 = tpu.memref_slice %arg4[%add3A_131, %dma_start3A_138] : memref<51200x128xf32, #tpu.memory_space<hbm>> -> memref<50x32xf32, #tpu.memory_space<hbm>>
      tpu.enqueue_dma source(%arg11 : memref<50x32xf32, #tpu.memory_space<vmem>>) target(%dma_start3A_139 : memref<50x32xf32, #tpu.memory_space<hbm>>) target_semaphore(%run_scoped3A : memref<!tpu.dma_semaphore, #tpu.memory_space<semaphore_mem>>)
      %dma_wait3A_140 = arith.constant 32 : i32
      %dma_wait3A_141 = tpu.memref_slice %arg4[%add3A_131, %dma_wait3A_140] : memref<51200x128xf32, #tpu.memory_space<hbm>> -> memref<50x32xf32, #tpu.memory_space<hbm>>
      %dma_wait3A_142 = arith.constant 32 : i32
      %dma_wait3A_143 = tpu.memref_slice %arg4[%add3A_131, %dma_wait3A_142] : memref<51200x128xf32, #tpu.memory_space<hbm>> -> memref<50x32xf32, #tpu.memory_space<hbm>>
      tpu.wait_dma2 semaphore(%run_scoped3A : memref<!tpu.dma_semaphore, #tpu.memory_space<semaphore_mem>>) src(%arg11 : memref<50x32xf32, #tpu.memory_space<vmem>>) dst(%dma_wait3A_143 : memref<50x32xf32, #tpu.memory_space<hbm>>)
      tpu.yield
    }) : () -> ()
    %add3A_132 = arith.constant 1550 : i32
    %add3A_133 = arith.addi %mul3A_2, %add3A_132 : i32
    "tpu.region"() ({
      %run_scoped3A = tpu.sem_alloc : memref<!tpu.dma_semaphore, #tpu.memory_space<semaphore_mem>>
      %dma_start3A_136 = arith.constant 64 : i32
      %dma_start3A_137 = tpu.memref_slice %arg4[%add3A_133, %dma_start3A_136] : memref<51200x128xf32, #tpu.memory_space<hbm>> -> memref<50x32xf32, #tpu.memory_space<hbm>>
      %dma_start3A_138 = arith.constant 64 : i32
      %dma_start3A_139 = tpu.memref_slice %arg4[%add3A_133, %dma_start3A_138] : memref<51200x128xf32, #tpu.memory_space<hbm>> -> memref<50x32xf32, #tpu.memory_space<hbm>>
      tpu.enqueue_dma source(%arg12 : memref<50x32xf32, #tpu.memory_space<vmem>>) target(%dma_start3A_139 : memref<50x32xf32, #tpu.memory_space<hbm>>) target_semaphore(%run_scoped3A : memref<!tpu.dma_semaphore, #tpu.memory_space<semaphore_mem>>)
      %dma_wait3A_140 = arith.constant 64 : i32
      %dma_wait3A_141 = tpu.memref_slice %arg4[%add3A_133, %dma_wait3A_140] : memref<51200x128xf32, #tpu.memory_space<hbm>> -> memref<50x32xf32, #tpu.memory_space<hbm>>
      %dma_wait3A_142 = arith.constant 64 : i32
      %dma_wait3A_143 = tpu.memref_slice %arg4[%add3A_133, %dma_wait3A_142] : memref<51200x128xf32, #tpu.memory_space<hbm>> -> memref<50x32xf32, #tpu.memory_space<hbm>>
      tpu.wait_dma2 semaphore(%run_scoped3A : memref<!tpu.dma_semaphore, #tpu.memory_space<semaphore_mem>>) src(%arg12 : memref<50x32xf32, #tpu.memory_space<vmem>>) dst(%dma_wait3A_143 : memref<50x32xf32, #tpu.memory_space<hbm>>)
      tpu.yield
    }) : () -> ()
    %add3A_134 = arith.constant 1550 : i32
    %add3A_135 = arith.addi %mul3A_2, %add3A_134 : i32
    "tpu.region"() ({
      %run_scoped3A = tpu.sem_alloc : memref<!tpu.dma_semaphore, #tpu.memory_space<semaphore_mem>>
      %dma_start3A_136 = arith.constant 96 : i32
      %dma_start3A_137 = tpu.memref_slice %arg4[%add3A_135, %dma_start3A_136] : memref<51200x128xf32, #tpu.memory_space<hbm>> -> memref<50x32xf32, #tpu.memory_space<hbm>>
      %dma_start3A_138 = arith.constant 96 : i32
      %dma_start3A_139 = tpu.memref_slice %arg4[%add3A_135, %dma_start3A_138] : memref<51200x128xf32, #tpu.memory_space<hbm>> -> memref<50x32xf32, #tpu.memory_space<hbm>>
      tpu.enqueue_dma source(%arg13 : memref<50x32xf32, #tpu.memory_space<vmem>>) target(%dma_start3A_139 : memref<50x32xf32, #tpu.memory_space<hbm>>) target_semaphore(%run_scoped3A : memref<!tpu.dma_semaphore, #tpu.memory_space<semaphore_mem>>)
      %dma_wait3A_140 = arith.constant 96 : i32
      %dma_wait3A_141 = tpu.memref_slice %arg4[%add3A_135, %dma_wait3A_140] : memref<51200x128xf32, #tpu.memory_space<hbm>> -> memref<50x32xf32, #tpu.memory_space<hbm>>
      %dma_wait3A_142 = arith.constant 96 : i32
      %dma_wait3A_143 = tpu.memref_slice %arg4[%add3A_135, %dma_wait3A_142] : memref<51200x128xf32, #tpu.memory_space<hbm>> -> memref<50x32xf32, #tpu.memory_space<hbm>>
      tpu.wait_dma2 semaphore(%run_scoped3A : memref<!tpu.dma_semaphore, #tpu.memory_space<semaphore_mem>>) src(%arg13 : memref<50x32xf32, #tpu.memory_space<vmem>>) dst(%dma_wait3A_143 : memref<50x32xf32, #tpu.memory_space<hbm>>)
      tpu.yield
    }) : () -> ()
    return
  }
}

module attributes {stable_mosaic.version = 14 : i64} {
  func.func @mm_kernel(%arg0: i32, %arg1: memref<1600x128xf32, #tpu.memory_space<vmem>>, %arg2: memref<128x512xf32, #tpu.memory_space<vmem>>, %arg3: memref<50x128x128xf32, #tpu.memory_space<vmem>>) attributes {dimension_semantics = [#tpu.dimension_semantics<arbitrary>], iteration_bounds = array<i64: 32>, scalar_prefetch = 0 : i64, scratch_operands = 0 : i64, tpu.core_type = #tpu.core_type<tc>, window_params = [{transform_indices = @transform_0, window_bounds = array<i64: 1600, 128>}, {pipeline_mode = #tpu.pipeline_mode<synchronous>, transform_indices = @transform_1, window_bounds = array<i64: 128, 512>}, {transform_indices = @transform_2, window_bounds = array<i64: 50, 128, 128>}]} {
    %get3A = arith.constant 0 : index
    %get3A_0 = arith.constant 0 : index
    %get3A_1 = vector.load %arg1[%get3A, %get3A_0] : memref<1600x128xf32, #tpu.memory_space<vmem>>, vector<1600x128xf32>
    %get3A_2 = arith.constant 0 : index
    %get3A_3 = arith.constant 0 : index
    %get3A_4 = vector.load %arg2[%get3A_2, %get3A_3] : memref<128x512xf32, #tpu.memory_space<vmem>>, vector<128x512xf32>
    %dot_general3A = arith.constant dense<0.000000e+00> : vector<1600x512xf32>
    %dot_general3A_5 = tpu.matmul %get3A_1, %get3A_4, %dot_general3A {dimension_numbers = #tpu.dot_dimension_numbers<[1], [0], [0], [1], [0, 0, 1, 1], [], []>, transpose_lhs_hint = false} : vector<1600x128xf32>, vector<128x512xf32>, vector<1600x512xf32> -> vector<1600x512xf32>
    %reshape3A = vector.shape_cast %dot_general3A_5 : vector<1600x512xf32> to vector<32x50x4x128xf32>
    %transpose3A = tpu.transpose %reshape3A, [1, 0, 2, 3] : vector<32x50x4x128xf32> -> vector<50x32x4x128xf32>
    %reshape3A_6 = vector.shape_cast %transpose3A : vector<50x32x4x128xf32> to vector<50x128x128xf32>
    %swap3A = arith.constant 0 : index
    %swap3A_7 = arith.constant 0 : index
    %swap3A_8 = arith.constant 0 : index
    %swap3A_9 = vector.load %arg3[%swap3A, %swap3A_7, %swap3A_8] : memref<50x128x128xf32, #tpu.memory_space<vmem>>, vector<50x128x128xf32>
    tpu.vector_store %arg3[%swap3A, %swap3A_7, %swap3A_8], %reshape3A_6 {strides = array<i32>} : memref<50x128x128xf32, #tpu.memory_space<vmem>>, vector<50x128x128xf32>,
    return
  }
  func.func @transform_0(%arg0: i32) -> (i32, i32) {
    %c0_i32 = arith.constant 0 : i32
    %c0_i32_0 = arith.constant 0 : i32
    return %arg0, %c0_i32 : i32, i32
  }
  func.func @transform_1(%arg0: i32) -> (i32, i32) {
    %c0_i32 = arith.constant 0 : i32
    %c0_i32_0 = arith.constant 0 : i32
    %c0_i32_1 = arith.constant 0 : i32
    return %c0_i32, %c0_i32_0 : i32, i32
  }
  func.func @transform_2(%arg0: i32) -> (i32, i32, i32) {
    %c0_i32 = arith.constant 0 : i32
    %c0_i32_0 = arith.constant 0 : i32
    %c0_i32_1 = arith.constant 0 : i32
    return %c0_i32, %arg0, %c0_i32_0 : i32, i32, i32
  }
}

</mosaic_0001>

<sc_bundles>
// kernel: kernel.4.cloned.1.call-start
scs
__scs_entry_jumppad:
0x0: {  	(pc) =	sbr.rel $0x88, $3  }
0x1: {  	(tag) =	ssettag $0x0;
	lr =	simm.s32 $0x1  }
0x2: {  	[smem:$0x3F9E] =	sst lr;
	_ =	strace $0xD0000000  }
0x3: {  	_ = 	snop  }
0x4: {  	_ = 	snop  }
0x5: {  	_ = 	snop  }
0x6: {  	_ = 	snop  }
0x7: {  	_ = 	snop  }
__scs_overlays_trampoline_lowered:
0x8: {  	[smem:$0x3FAD] =	sst s0  }
0x9: {  	[smem:$0x3FAE] =	sst s1  }
0xa: {  	[smem:$0x3FAF] =	sst s2  }
0xb: {  	[smem:$0x3FB0] =	sst s3  }
0xc: {  	[smem:$0x3FB1] =	sst s4  }
0xd: {  	[smem:$0x3FB2] =	sst s5  }
0xe: {  	[smem:$0x3FB3] =	sst s6  }
0xf: {  	[smem:$0x3FB4] =	sst s7  }
0x10: {  	[smem:$0x3FB5] =	sst s8  }
0x11: {  	[smem:$0x3FB6] =	sst s9;
	s0 =	simm.s32 @!p0 $0x0  }
0x12: {  	s1 =	sld [smem:$0x3F9C];
	s0 =	simm.s32 @p0 $0x1  }
0x13: {  	[smem:$0x3FB7] =	sst s0;
	s0 =	simm.s32 @!p1 $0x0  }
0x14: {  	s2 =	sld [smem:$0x3F9B];
	s0 =	simm.s32 @p1 $0x1  }
0x15: {  	[smem:$0x3FB8] =	sst s0;
	s0 =	simm.s32 @!p2 $0x0  }
0x16: {  	s3 =	sld [smem:$0x3FDB];
	s0 =	simm.s32 @p2 $0x1  }
0x17: {  	s4 =	simm.s32 $0x1BF5;
	[smem:$0x3FBA] =	sst s0  }
0x18: {  	s0 =	sld [smem:$0x3F9D];
	_ =	swait.ge [sflag:s4], $0x0  }
0x19: {  	s7 =	sld [smem:$0x3F9E]  }
0x1a: {  	s8 =	sadd.s32 $0xFFFFE003, lr  }
0x1b: {  	s9 =	sadd.s32 $0xFFFFFEF7, lr;
	s5 =	simm.s32 $0xFFFFFFFF;
	p2 =	slt.u32 s8, $0xFFFFF086  }
0x1c: {  	p1 =	slt.u32 s9, $0xF7A;
	s5 =	simm.s32 @!p2 $0x0  }
0x1d: {  	s5 =	simm.s32 @p1 $0x1;
	p0 =	seq.s32 s7, s2  }
0x1e: {  	s7 =	smul.u32 @!p0 $0xF7A, s2;
	p2 =	seq.s32 @!p0 s5, $0x0  }
0x1f: {  	s9 =	smul.u32 $0xF7A, s1;
	s8 =	simm.s32 @!p0 $0x1BF5;
	p2 =	por !p2, p0  }
0x20: {  	[sflag:s8] =	ssyncset.s32 @!p0 $0xFFFFF086;
	s6 =	sadd.s32 @!p0 s3, s7;
	s7 =	simm.s32 @!p0 $0x108  }
0x21: {  	s3 =	sadd.s32 s3, s9;
	s6 =	sadd.s32 @!p0 $0x88, s6;
	s7 =	simm.s32 @p2 $0x1082  }
0x22: {  	[simem:s7], [sflag:s8] =	dma.local @!p0 [hbm:s6], $0xF7A  }
0x23: {  	s9 =	sor.u32 $0xD0000000, s2;
	s6 =	simm.s32 $0x108;
	_ =	swait.ge @!p0 [sflag:s8], $0x0  }
0x24: {  	s3 =	sadd.s32 $0x88, s3;
	s6 =	simm.s32 @!p1 $0x1082;
	[sflag:s4] =	ssyncset.s32 $0xFFFFF086  }
0x25: {  	[simem:s6], [sflag:s4] =	dma.local [hbm:s3], $0xF7A  }
0x26: {  	[smem:$0x3F9E] =	sst s1;
	(tag) =	ssettag s2;
	_ =	strace s9  }
0x27: {  	s1 =	sld [smem:$0x3FAE]  }
0x28: {  	s2 =	sld [smem:$0x3FAF]  }
0x29: {  	s4 =	sld [smem:$0x3FB1]  }
0x2a: {  	p0 =	seq.s32 s5, $0x0;
	s5 =	sld [smem:$0x3FB2]  }
0x2b: {  	s6 =	sld [smem:$0x3FB3]  }
0x2c: {  	s7 =	sld [smem:$0x3FB4]  }
0x2d: {  	s3 =	simm.s32 $0x108;
	s8 =	sld [smem:$0x3FB5]  }
0x2e: {  	s3 =	simm.s32 @!p0 $0x1082;
	s9 =	sld [smem:$0x3FB6]  }
0x2f: {  	lr =	sadd.s32 s0, s3;
	s0 =	sld [smem:$0x3FAD]  }
0x30: {  	s3 =	sld [smem:$0x3FB0]  }
0x31: {  	[smem:$0x3FB9] =	sst s10  }
0x32: {  	s10 =	sld [smem:$0x3FB7];
	_ =	sdelay $0x3  }
0x33: {  	p0 =	seq.s32 s10, $0x1;
	s10 =	sld [smem:$0x3FB9];
	_ =	sdelay $0x3  }
0x34: {  	[smem:$0x3FB9] =	sst s10  }
0x35: {  	s10 =	sld [smem:$0x3FB8];
	_ =	sdelay $0x3  }
0x36: {  	p1 =	seq.s32 s10, $0x1;
	s10 =	sld [smem:$0x3FB9];
	_ =	sdelay $0x3  }
0x37: {  	[smem:$0x3FB9] =	sst s10  }
0x38: {  	s10 =	sld [smem:$0x3FBA]  }
0x39: {  	_ = 	snop;
	(pc) =	sbr.ind lr, $3  }
0x3a: {  	_ = 	snop  }
0x3b: {  	_ = 	snop  }
0x3c: {  	p2 =	seq.s32 s10, $0x1;
	s10 =	sld [smem:$0x3FB9]  }
0x3d: {  	_ =	shalt  }
0x3e: {  	_ =	shalt  }
0x3f: {  	_ =	shalt  }
0x40: {  	_ =	shalt  }
0x41: {  	_ =	shalt  }
0x42: {  	_ =	shalt  }
0x43: {  	_ =	shalt  }
0x44: {  	_ =	shalt  }
0x45: {  	_ =	shalt  }
0x46: {  	_ =	shalt  }
0x47: {  	_ =	shalt  }
0x48: {  	_ =	shalt  }
0x49: {  	_ =	shalt  }
0x4a: {  	_ =	shalt  }
0x4b: {  	_ =	shalt  }
0x4c: {  	_ =	shalt  }
0x4d: {  	_ =	shalt  }
0x4e: {  	_ =	shalt  }
0x4f: {  	_ =	shalt  }
0x50: {  	_ =	shalt  }
0x51: {  	_ =	shalt  }
0x52: {  	_ =	shalt  }
0x53: {  	_ =	shalt  }
0x54: {  	_ =	shalt  }
0x55: {  	_ =	shalt  }
0x56: {  	_ =	shalt  }
0x57: {  	_ =	shalt  }
0x58: {  	_ =	shalt  }
0x59: {  	_ =	shalt  }
0x5a: {  	_ =	shalt  }
0x5b: {  	_ =	shalt  }
0x5c: {  	_ =	shalt  }
0x5d: {  	_ =	shalt  }
0x5e: {  	_ =	shalt  }
0x5f: {  	_ =	shalt  }
0x60: {  	_ =	shalt  }
0x61: {  	_ =	shalt  }
0x62: {  	_ =	shalt  }
0x63: {  	_ =	shalt  }
0x64: {  	_ =	shalt  }
0x65: {  	_ =	shalt  }
0x66: {  	_ =	shalt  }
0x67: {  	_ =	shalt  }
0x68: {  	_ =	shalt  }
0x69: {  	_ =	shalt  }
0x6a: {  	_ =	shalt  }
0x6b: {  	_ =	shalt  }
0x6c: {  	_ =	shalt  }
0x6d: {  	_ =	shalt  }
0x6e: {  	_ =	shalt  }
0x6f: {  	_ =	shalt  }
0x70: {  	_ =	shalt  }
0x71: {  	_ =	shalt  }
0x72: {  	_ =	shalt  }
0x73: {  	_ =	shalt  }
0x74: {  	_ =	shalt  }
0x75: {  	_ =	shalt  }
0x76: {  	_ =	shalt  }
0x77: {  	_ =	shalt  }
0x78: {  	_ =	shalt  }
0x79: {  	_ =	shalt  }
0x7a: {  	_ =	shalt  }
0x7b: {  	_ =	shalt  }
0x7c: {  	_ =	shalt  }
0x7d: {  	_ =	shalt  }
0x7e: {  	_ =	shalt  }
0x7f: {  	_ =	shalt  }
0x80: {  	_ =	shalt  }
0x81: {  	_ =	shalt  }
0x82: {  	_ =	shalt  }
0x83: {  	_ =	shalt  }
0x84: {  	_ =	shalt  }
0x85: {  	_ =	shalt  }
0x86: {  	_ =	shalt  }
0x87: {  	_ =	shalt  }
.Lfunc_end0:
.L_simem_size_0:
called_computation_lowered:
.L_overlay_start_0:
0x88: {  	s2 =	sld [smem:$0x3FD9]  }
0x89: {  	s3 =	sld [smem:$0x3FFE];
	_ =	sdelay $0x1  }
0x8a: {  	s1 =	srdreg.scid  }
0x8b: {  	s0 =	sand.u32 $0x1, s1  }
0x8c: {  	s17 =	sshll.u32 s0, $0xA;
	s2 =	sadd.s32 s3, s2  }
0x8d: {  	s2 =	sadd.s32 s2, s17  }
0x8e: {  	[smem:$0x3FC5] =	sst s2  }
0x8f: {  	_ = 	snop  }
0x90: {  	s2 =	sld [smem:$0x3FD0];
	(tm) =	ssettm $0x1  }
0x91: {  	s18 =	sld [smem:$0x3FFB];
	_ =	sdelay $0x3  }
0x92: {  	_ =	strace s18  }
0x93: {  	s3 =	sld [smem:$0x3FFC];
	_ =	sdelay $0x3  }
0x94: {  	_ =	strace s3  }
0x95: {  	s3 =	sld [smem:$0x3FFD];
	_ =	sdelay $0x3  }
0x96: {  	_ =	strace s3  }
0x97: {  	_ =	strace $0x8FFFFFFF  }
0x98: {  	s19 =	sld [smem:$0x3FDB];
	_ =	sdelay $0x1  }
0x99: {  	s4 =	simm.s32 $_scs_section_size  }
0x9a: {  	s5 =	simm.s32 $_size__tile_overlayer_lowered;
	s6 =	simm.s32 $_tile_overlayer_lowered  }
0x9b: {  	s22 =	simm.s32 $0x1BFF;
	s21 =	sshll.u32 s6, $0x1;
	s3 =	sadd.s32 s4, s19  }
0x9c: {  	s7 =	simm.s32 $0x0;
	s20 =	sshll.u32 s5, $0x1;
	s5 =	sadd.s32 s21, s3  }
0x9d: {  	[timem:s7], [sflag:s22] =	dma.local [hbm:s5], s20  }
0x9e: {  	_ =	swait.ge [sflag:s22], s20  }
0x9f: {  	s4 =	ssub.s32 $0x0, s20;
	[sflag:s22] =	ssyncset.done $0x0  }
0xa0: {  	[sflag:s22] =	ssyncadd.s32 s4;
	_ =	sdelay $0x1  }
0xa1: {  	s23 =	simm.s32 $0x1B8B  }
0xa2: {  	_ =	swait.ge [sflag:s23], $0x1  }
0xa3: {  	[sflag:s23] =	ssyncset.done $0x0  }
0xa4: {  	s25 =	simm.s32 $0x1B8E;
	s24 =	sld [smem:$0x3FFE];
	[sflag:s23] =	ssyncadd.s32 $0xFFFFFFFF  }
0xa5: {  	s26 =	simm.s32 $execute0_lowered;
	[smem:$0x3FD2] =	sst s25  }
0xa6: {  	s5 =	sshll.u32 s26, $0x1;
	_ =	strace $0x80000046;
	[dreg:$0x1] =	wrdreg $0xFFFFFFFF  }
0xa7: {  	s28 =	simm.s32 $_size_execute0_lowered;
	s3 =	sadd.s32 s3, s5;
	[dreg:$0x0] =	wrdreg $0x0  }
0xa8: {  	s5 =	sshll.u32 s28, $0x1;
	[dreg:$0x2] =	wrdreg s3  }
0xa9: {  	[dreg:$0x3] =	wrdreg s5  }
0xaa: {  	[dreg:$0x4] =	wrdreg $0xC0  }
0xab: {  	_ =	task [dreg:s7], $0x5FFFF  }
0xac: {  	[dreg:$0x1] =	wrdreg $0xFFFFFFFF  }
0xad: {  	[dreg:$0x0] =	wrdreg $0x60  }
0xae: {  	[dreg:$0x2] =	wrdreg s24  }
0xaf: {  	[dreg:$0x3] =	wrdreg s2  }
0xb0: {  	[dreg:$0x4] =	wrdreg $0x9  }
0xb1: {  	_ =	task.clear_ibuf [dreg:s7], $0x5FFFF;
	_ =	strace $0x90000046  }
0xb2: {  	s29 =	simm.s32 $0x9;
	_ =	strace $0x80000048  }
0xb3: {  	_ =	swait.ge [sflag:s29], $0x1  }
0xb4: {  	[sflag:s29] =	ssyncadd.s32 $0xFFFFFFFF  }
0xb5: {  	_ =	strace $0x90000048  }
0xb6: {  	_ =	sfence  }
0xb7: {  	s30 =	sld [smem:$0x0];
	_ =	sdelay $0x2  }
0xb8: {  	s31 =	sshll.u32 s1, $0xD;
	s1 =	sshrl.u32 s1, $0x2  }
0xb9: {  	s3 =	sand.u32 $0x4000, s31;
	s1 =	sadd.s32 s1, s30  }
0xba: {  	s0 =	sor.u32 s3, s0;
	s1 =	sshll.u32 s1, $0x11  }
0xbb: {  	s0 =	sor.u32 s1, s0  }
0xbc: {  	s0 =	sadd.s32 $0x8F2B, s0  }
0xbd: {  	[sflag:s0] =	ssyncadd.remote.s32 $0x1  }
0xbe: {  	_ =	sfence.sel $0xFFFF  }
0xbf: {  	[dreg:$0x0] =	wrdreg $0xFFFFFFFF;
	(pc) =	sbr.abs _section_cstart, $3  }
0xc0: {  	[dreg:$0x1] =	wrdreg $0xFFFFFFFF  }
0xc1: {  	_ =	task.clear_ibuf [dreg:s7], $0x2FFFF;
	_ =	strace $0x9FFFFFFF  }
0xc2: {  	(tm) =	ssettm $0x7FFFFFFF  }
0xc3: {  	_ =	shalt  }
tec
execute0_lowered:
.L_overlay_start_1:
0x0: {  	(tag) =	ssettag $0x1  }
0x1: {  	s0 =	rddreg [dreg:$0x0]  }
0x2: {  	s1 =	rddreg [dreg:$0x1]  }
0x3: {  	s3 =	srdreg.scid;
	s2 =	stileid.u32  }
0x4: {  	s4 =	simm.s32 $0x0;
	s15 =	simm.s32 $0x3;
	s16 =	simm.s32 $0x32  }
0x5: {  	s17 =	simm.s32 $0x1C00;
	s19 =	simm.s32 $0x2240;
	s21 =	simm.s32 $0x2880  }
0x6: {  	s23 =	simm.s32 $0x2EC0;
	s25 =	simm.s32 $0x3500;
	s28 =	simm.s32 $0x3B40  }
0x7: {  	s30 =	simm.s32 $0x4180;
	s18 =	simm.s32 $0x20;
	s20 =	simm.s32 $0x80  }
0x8: {  	s22 =	simm.s32 $0x2;
	s9 =	sand.u32 $0x1, s3;
	s26 =	sshll.u32 s2, $0x1  }
0x9: {  	s24 =	simm.s32 $0x0;
	s11 =	smul.u32 $0xC800, s2;
	s29 =	sor.u32 s9, s26  }
0xa: {  	[smem:$0x7FF] =	sst s4;
	s3 =	sadd.s32 $0xF42C00, s0;
	s5 =	smul.u32 $0x32000, s29  }
0xb: {  	s0 =	sadd.s32 $0x800, s0;
	s6 =	ssub.s32 $0x2, s9;
	s4 =	smul.u32 $0x380, s29  }
0xc: {  	_ =	strace $0x80000047;
	s14 =	smul.u32 $0x6400, s9;
	s7 =	sshrl.u32 s6, $0x1  }
0xd: {  	s13 =	ssub.s32 s6, s7;
	s5 =	sshrl.u32 s5, $0x3;
	s4 =	sadd.s32 s1, s4  }
0xe: {  	s13 =	smax.u32 s13, $0x1;
	s1 =	simm.s32 $0x1;
	s31 =	sadd.s32 s0, s5  }
0xf: {  	s0 =	sadd.s32 s11, s0;
	s5 =	sadd.s32 $0x5DC0, s31;
	s6 =	sadd.s32 $0x5DC4, s31  }
0x10: {  	s7 =	sadd.s32 $0x5DC8, s31;
	s8 =	sadd.s32 $0x5DCC, s31;
	s9 =	sadd.s32 $0x60E0, s31  }
0x11: {  	s10 =	sadd.s32 $0x60E4, s31;
	s11 =	sadd.s32 $0x60E8, s31;
	s0 =	sadd.s32 s14, s0  }
0x12: {  	s12 =	sadd.s32 $0x60EC, s31;
	s14 =	sadd.s32 $0x32C, s0;
	s0 =	simm.s32 $0x47C0  }
.LBB2_1:
0x13: {  	s2 =	simm.s32 $0x0  }
0x14: {  	[tilespmem:s2], [sflag:$0x3] =	stream.linear.gather [hbm4b:s4+s2], $0x1C00, $0x38;
	[tilespmem:$0x4E00] =	vst v63  }
0x15: {  	_ =	swait.ge [sflag:s15], $0x1C00  }
0x16: {  	[sflag:s15] =	ssyncset.done $0x0  }
0x17: {  	[sflag:s15] =	ssyncadd.s32 $0xFFFFE400  }
0x18: {  	[tilespmem:s17], [sflag:$0x1] =	stream.indirect.gather [hbm4b:s3+s16], $0x20, s2, s16, $0xb8;
	[tilespmem:$0x4E00] =	vst v63  }
0x19: {  	s26 =	simm.s32 $0x38  }
0x1a: {  	[tilespmem:s19], [sflag:$0x1] =	stream.indirect.gather [hbm4b:s3+s16], $0x20, s26, s16, $0xb8;
	[tilespmem:$0x4E00] =	vst v63  }
0x1b: {  	s26 =	simm.s32 $0x70  }
0x1c: {  	[tilespmem:s21], [sflag:$0x1] =	stream.indirect.gather [hbm4b:s3+s16], $0x20, s26, s16, $0xb8;
	[tilespmem:$0x4E00] =	vst v63  }
0x1d: {  	s26 =	simm.s32 $0xA8  }
0x1e: {  	[tilespmem:s23], [sflag:$0x1] =	stream.indirect.gather [hbm4b:s3+s16], $0x20, s26, s16, $0xb8;
	[tilespmem:$0x4E00] =	vst v63  }
0x1f: {  	s26 =	simm.s32 $0xE0  }
0x20: {  	[tilespmem:s25], [sflag:$0x2] =	stream.indirect.gather [hbm4b:s3+s16], $0x20, s26, s16, $0xb8;
	[tilespmem:$0x4E00] =	vst v63  }
0x21: {  	s26 =	simm.s32 $0x118  }
0x22: {  	[tilespmem:s28], [sflag:$0x2] =	stream.indirect.gather [hbm4b:s3+s16], $0x20, s26, s16, $0xb8;
	[tilespmem:$0x4E00] =	vst v63  }
0x23: {  	s26 =	simm.s32 $0x150  }
0x24: {  	[tilespmem:s30], [sflag:$0x2] =	stream.indirect.gather [hbm4b:s3+s16], $0x20, s26, s16, $0xb8;
	[tilespmem:$0x4E00] =	vst v63  }
0x25: {  	s26 =	simm.s32 $0x188  }
0x26: {  	[tilespmem:s0], [sflag:$0x2] =	stream.indirect.gather [hbm4b:s3+s16], $0x20, s26, s16, $0xb8;
	[tilespmem:$0x4E00] =	vst v63  }
0x27: {  	_ =	swait.ge [sflag:s1], $0x640  }
0x28: {  	[sflag:s1] =	ssyncset.done $0x0  }
0x29: {  	[sflag:s1] =	ssyncadd.s32 $0xFFFFF9C0  }
0x2a: {  	_ =	swait.ge [sflag:s1], $0x640  }
0x2b: {  	[sflag:s1] =	ssyncset.done $0x0  }
0x2c: {  	[sflag:s1] =	ssyncadd.s32 $0xFFFFF9C0  }
0x2d: {  	_ =	swait.ge [sflag:s1], $0x640  }
0x2e: {  	[sflag:s1] =	ssyncset.done $0x0  }
0x2f: {  	[sflag:s1] =	ssyncadd.s32 $0xFFFFF9C0  }
0x30: {  	_ =	swait.ge [sflag:s1], $0x640  }
0x31: {  	[sflag:s1] =	ssyncset.done $0x0  }
0x32: {  	s26 =	sadd.s32 $0xFFFFFCD4, s14;
	[sflag:s1] =	ssyncadd.s32 $0xFFFFF9C0  }
0x33: {  	[hbm4b:s26+s18] =	stream.strided.scatter [tilespmem:s17], [sflag:$0x3], $0x640, s20, s18, $0x38;
	[tilespmem:$0x4E00] =	vst v63  }
0x34: {  	_ =	swait.ge [sflag:s15], $0x640  }
0x35: {  	[sflag:s15] =	ssyncset.done $0x0  }
0x36: {  	s2 =	sadd.s32 $0xFFFFFCD8, s14;
	[sflag:s15] =	ssyncadd.s32 $0xFFFFF9C0  }
0x37: {  	[hbm4b:s2+s18] =	stream.strided.scatter [tilespmem:s19], [sflag:$0x3], $0x640, s20, s18, $0x38;
	[tilespmem:$0x4E00] =	vst v63  }
0x38: {  	_ =	swait.ge [sflag:s15], $0x640  }
0x39: {  	[sflag:s15] =	ssyncset.done $0x0  }
0x3a: {  	s2 =	sadd.s32 $0xFFFFFCDC, s14;
	[sflag:s15] =	ssyncadd.s32 $0xFFFFF9C0  }
0x3b: {  	[hbm4b:s2+s18] =	stream.strided.scatter [tilespmem:s21], [sflag:$0x3], $0x640, s20, s18, $0x38;
	[tilespmem:$0x4E00] =	vst v63  }
0x3c: {  	_ =	swait.ge [sflag:s15], $0x640  }
0x3d: {  	[sflag:s15] =	ssyncset.done $0x0  }
0x3e: {  	s2 =	sadd.s32 $0xFFFFFCE0, s14;
	[sflag:s15] =	ssyncadd.s32 $0xFFFFF9C0  }
0x3f: {  	[hbm4b:s2+s18] =	stream.strided.scatter [tilespmem:s23], [sflag:$0x3], $0x640, s20, s18, $0x38;
	[tilespmem:$0x4E00] =	vst v63  }
0x40: {  	_ =	swait.ge [sflag:s15], $0x640  }
0x41: {  	[sflag:s15] =	ssyncset.done $0x0  }
0x42: {  	s2 =	simm.s32 $0x1C0;
	[sflag:s15] =	ssyncadd.s32 $0xFFFFF9C0  }
0x43: {  	[tilespmem:s17], [sflag:$0x1] =	stream.indirect.gather [hbm4b:s3+s16], $0x20, s2, s16, $0xb8;
	[tilespmem:$0x4E00] =	vst v63  }
0x44: {  	s2 =	simm.s32 $0x1F8  }
0x45: {  	[tilespmem:s19], [sflag:$0x1] =	stream.indirect.gather [hbm4b:s3+s16], $0x20, s2, s16, $0xb8;
	[tilespmem:$0x4E00] =	vst v63  }
0x46: {  	s2 =	simm.s32 $0x230  }
0x47: {  	[tilespmem:s21], [sflag:$0x1] =	stream.indirect.gather [hbm4b:s3+s16], $0x20, s2, s16, $0xb8;
	[tilespmem:$0x4E00] =	vst v63  }
0x48: {  	s2 =	simm.s32 $0x268  }
0x49: {  	[tilespmem:s23], [sflag:$0x1] =	stream.indirect.gather [hbm4b:s3+s16], $0x20, s2, s16, $0xb8;
	[tilespmem:$0x4E00] =	vst v63  }
0x4a: {  	_ =	swait.ge [sflag:s22], $0x640  }
0x4b: {  	[sflag:s22] =	ssyncset.done $0x0  }
0x4c: {  	[sflag:s22] =	ssyncadd.s32 $0xFFFFF9C0  }
0x4d: {  	_ =	swait.ge [sflag:s22], $0x640  }
0x4e: {  	[sflag:s22] =	ssyncset.done $0x0  }
0x4f: {  	[sflag:s22] =	ssyncadd.s32 $0xFFFFF9C0  }
0x50: {  	_ =	swait.ge [sflag:s22], $0x640  }
0x51: {  	[sflag:s22] =	ssyncset.done $0x0  }
0x52: {  	[sflag:s22] =	ssyncadd.s32 $0xFFFFF9C0  }
0x53: {  	_ =	swait.ge [sflag:s22], $0x640  }
0x54: {  	[sflag:s22] =	ssyncset.done $0x0  }
0x55: {  	s2 =	sadd.s32 $0xFFFFFFF4, s14;
	[sflag:s22] =	ssyncadd.s32 $0xFFFFF9C0  }
0x56: {  	[hbm4b:s2+s18] =	stream.strided.scatter [tilespmem:s25], [sflag:$0x3], $0x640, s20, s18, $0x38;
	[tilespmem:$0x4E00] =	vst v63  }
0x57: {  	_ =	swait.ge [sflag:s15], $0x640  }
0x58: {  	[sflag:s15] =	ssyncset.done $0x0  }
0x59: {  	s2 =	sadd.s32 $0xFFFFFFF8, s14;
	[sflag:s15] =	ssyncadd.s32 $0xFFFFF9C0  }
0x5a: {  	[hbm4b:s2+s18] =	stream.strided.scatter [tilespmem:s28], [sflag:$0x3], $0x640, s20, s18, $0x38;
	[tilespmem:$0x4E00] =	vst v63  }
0x5b: {  	_ =	swait.ge [sflag:s15], $0x640  }
0x5c: {  	[sflag:s15] =	ssyncset.done $0x0  }
0x5d: {  	s2 =	sadd.s32 $0xFFFFFFFC, s14;
	[sflag:s15] =	ssyncadd.s32 $0xFFFFF9C0  }
0x5e: {  	[hbm4b:s2+s18] =	stream.strided.scatter [tilespmem:s30], [sflag:$0x3], $0x640, s20, s18, $0x38;
	[tilespmem:$0x4E00] =	vst v63  }
0x5f: {  	_ =	swait.ge [sflag:s15], $0x640  }
0x60: {  	[sflag:s15] =	ssyncset.done $0x0  }
0x61: {  	[sflag:s15] =	ssyncadd.s32 $0xFFFFF9C0  }
0x62: {  	[hbm4b:s14+s18] =	stream.strided.scatter [tilespmem:s0], [sflag:$0x3], $0x640, s20, s18, $0x38;
	[tilespmem:$0x4E00] =	vst v63  }
0x63: {  	_ =	swait.ge [sflag:s15], $0x640  }
0x64: {  	[sflag:s15] =	ssyncset.done $0x0  }
0x65: {  	s2 =	simm.s32 $0x2A0;
	[sflag:s15] =	ssyncadd.s32 $0xFFFFF9C0  }
0x66: {  	[tilespmem:s25], [sflag:$0x2] =	stream.indirect.gather [hbm4b:s3+s16], $0x20, s2, s16, $0xb8;
	[tilespmem:$0x4E00] =	vst v63  }
0x67: {  	s31 =	simm.s32 $0x348;
	s2 =	simm.s32 $0x2D8  }
0x68: {  	[tilespmem:s28], [sflag:$0x2] =	stream.indirect.gather [hbm4b:s3+s16], $0x20, s2, s16, $0xb8;
	[tilespmem:$0x4E00] =	vst v63  }
0x69: {  	s29 =	sadd.s32 $0x640, s14;
	s26 =	simm.s32 $0x700;
	s2 =	simm.s32 $0x310  }
0x6a: {  	[tilespmem:s30], [sflag:$0x2] =	stream.indirect.gather [hbm4b:s3+s16], $0x20, s2, s16, $0xb8;
	[tilespmem:$0x4E00] =	vst v63  }
.LBB2_2:
0x6b: {  	[tilespmem:s0], [sflag:$0x2] =	stream.indirect.gather [hbm4b:s3+s16], $0x20, s31, s16, $0xb8;
	[tilespmem:$0x4E00] =	vst v63  }
0x6c: {  	s31 =	smov.u32 s26  }
0x6d: {  	p0 =	sne.s32 s26, $0x6200;
	s26 =	sadd.s32 $0x700, s26;
	_ =	swait.ge [sflag:s1], $0x640  }
0x6e: {  	[sflag:s1] =	ssyncset.done $0x0  }
0x6f: {  	[sflag:s1] =	ssyncadd.s32 $0xFFFFF9C0  }
0x70: {  	_ =	swait.ge [sflag:s1], $0x640  }
0x71: {  	[sflag:s1] =	ssyncset.done $0x0  }
0x72: {  	[sflag:s1] =	ssyncadd.s32 $0xFFFFF9C0  }
0x73: {  	_ =	swait.ge [sflag:s1], $0x640  }
0x74: {  	[sflag:s1] =	ssyncset.done $0x0  }
0x75: {  	[sflag:s1] =	ssyncadd.s32 $0xFFFFF9C0  }
0x76: {  	_ =	swait.ge [sflag:s1], $0x640  }
0x77: {  	[sflag:s1] =	ssyncset.done $0x0  }
0x78: {  	s2 =	sadd.s32 $0xFFFFFCD4, s29;
	[sflag:s1] =	ssyncadd.s32 $0xFFFFF9C0  }
0x79: {  	[hbm4b:s2+s18] =	stream.strided.scatter [tilespmem:s17], [sflag:$0x3], $0x640, s20, s18, $0x38;
	[tilespmem:$0x4E00] =	vst v63  }
0x7a: {  	_ =	swait.ge [sflag:s15], $0x640  }
0x7b: {  	[sflag:s15] =	ssyncset.done $0x0  }
0x7c: {  	s2 =	sadd.s32 $0xFFFFFCD8, s29;
	[sflag:s15] =	ssyncadd.s32 $0xFFFFF9C0  }
0x7d: {  	[hbm4b:s2+s18] =	stream.strided.scatter [tilespmem:s19], [sflag:$0x3], $0x640, s20, s18, $0x38;
	[tilespmem:$0x4E00] =	vst v63  }
0x7e: {  	_ =	swait.ge [sflag:s15], $0x640  }
0x7f: {  	[sflag:s15] =	ssyncset.done $0x0  }
0x80: {  	s2 =	sadd.s32 $0xFFFFFCDC, s29;
	[sflag:s15] =	ssyncadd.s32 $0xFFFFF9C0  }
0x81: {  	[hbm4b:s2+s18] =	stream.strided.scatter [tilespmem:s21], [sflag:$0x3], $0x640, s20, s18, $0x38;
	[tilespmem:$0x4E00] =	vst v63  }
0x82: {  	_ =	swait.ge [sflag:s15], $0x640  }
0x83: {  	[sflag:s15] =	ssyncset.done $0x0  }
0x84: {  	s2 =	sadd.s32 $0xFFFFFCE0, s29;
	[sflag:s15] =	ssyncadd.s32 $0xFFFFF9C0  }
0x85: {  	[hbm4b:s2+s18] =	stream.strided.scatter [tilespmem:s23], [sflag:$0x3], $0x640, s20, s18, $0x38;
	[tilespmem:$0x4E00] =	vst v63  }
0x86: {  	_ =	swait.ge [sflag:s15], $0x640  }
0x87: {  	s31 =	sshra.s32 s31, $0x2;
	[sflag:s15] =	ssyncset.done $0x0  }
0x88: {  	s2 =	sadd.s32 $0x1C0, s31;
	[sflag:s15] =	ssyncadd.s32 $0xFFFFF9C0  }
0x89: {  	[tilespmem:s17], [sflag:$0x1] =	stream.indirect.gather [hbm4b:s3+s16], $0x20, s2, s16, $0xb8;
	[tilespmem:$0x4E00] =	vst v63  }
0x8a: {  	s2 =	sadd.s32 $0x1F8, s31  }
0x8b: {  	[tilespmem:s19], [sflag:$0x1] =	stream.indirect.gather [hbm4b:s3+s16], $0x20, s2, s16, $0xb8;
	[tilespmem:$0x4E00] =	vst v63  }
0x8c: {  	s2 =	sadd.s32 $0x230, s31  }
0x8d: {  	[tilespmem:s21], [sflag:$0x1] =	stream.indirect.gather [hbm4b:s3+s16], $0x20, s2, s16, $0xb8;
	[tilespmem:$0x4E00] =	vst v63  }
0x8e: {  	s2 =	sadd.s32 $0x268, s31  }
0x8f: {  	[tilespmem:s23], [sflag:$0x1] =	stream.indirect.gather [hbm4b:s3+s16], $0x20, s2, s16, $0xb8;
	[tilespmem:$0x4E00] =	vst v63  }
0x90: {  	_ =	swait.ge [sflag:s22], $0x640  }
0x91: {  	[sflag:s22] =	ssyncset.done $0x0  }
0x92: {  	[sflag:s22] =	ssyncadd.s32 $0xFFFFF9C0  }
0x93: {  	_ =	swait.ge [sflag:s22], $0x640  }
0x94: {  	[sflag:s22] =	ssyncset.done $0x0  }
0x95: {  	[sflag:s22] =	ssyncadd.s32 $0xFFFFF9C0  }
0x96: {  	_ =	swait.ge [sflag:s22], $0x640  }
0x97: {  	[sflag:s22] =	ssyncset.done $0x0  }
0x98: {  	[sflag:s22] =	ssyncadd.s32 $0xFFFFF9C0  }
0x99: {  	_ =	swait.ge [sflag:s22], $0x640  }
0x9a: {  	[sflag:s22] =	ssyncset.done $0x0  }
0x9b: {  	s2 =	sadd.s32 $0xFFFFFFF4, s29;
	[sflag:s22] =	ssyncadd.s32 $0xFFFFF9C0  }
0x9c: {  	[hbm4b:s2+s18] =	stream.strided.scatter [tilespmem:s25], [sflag:$0x3], $0x640, s20, s18, $0x38;
	[tilespmem:$0x4E00] =	vst v63  }
0x9d: {  	_ =	swait.ge [sflag:s15], $0x640  }
0x9e: {  	[sflag:s15] =	ssyncset.done $0x0  }
0x9f: {  	s2 =	sadd.s32 $0xFFFFFFF8, s29;
	[sflag:s15] =	ssyncadd.s32 $0xFFFFF9C0  }
0xa0: {  	[hbm4b:s2+s18] =	stream.strided.scatter [tilespmem:s28], [sflag:$0x3], $0x640, s20, s18, $0x38;
	[tilespmem:$0x4E00] =	vst v63  }
0xa1: {  	_ =	swait.ge [sflag:s15], $0x640  }
0xa2: {  	[sflag:s15] =	ssyncset.done $0x0  }
0xa3: {  	s2 =	sadd.s32 $0xFFFFFFFC, s29;
	[sflag:s15] =	ssyncadd.s32 $0xFFFFF9C0  }
0xa4: {  	[hbm4b:s2+s18] =	stream.strided.scatter [tilespmem:s30], [sflag:$0x3], $0x640, s20, s18, $0x38;
	[tilespmem:$0x4E00] =	vst v63  }
0xa5: {  	_ =	swait.ge [sflag:s15], $0x640  }
0xa6: {  	[sflag:s15] =	ssyncset.done $0x0  }
0xa7: {  	[sflag:s15] =	ssyncadd.s32 $0xFFFFF9C0  }
0xa8: {  	[hbm4b:s29+s18] =	stream.strided.scatter [tilespmem:s0], [sflag:$0x3], $0x640, s20, s18, $0x38;
	[tilespmem:$0x4E00] =	vst v63  }
0xa9: {  	_ =	swait.ge [sflag:s15], $0x640  }
0xaa: {  	[sflag:s15] =	ssyncset.done $0x0  }
0xab: {  	s2 =	sadd.s32 $0x2A0, s31;
	[sflag:s15] =	ssyncadd.s32 $0xFFFFF9C0  }
0xac: {  	[tilespmem:s25], [sflag:$0x2] =	stream.indirect.gather [hbm4b:s3+s16], $0x20, s2, s16, $0xb8;
	[tilespmem:$0x4E00] =	vst v63  }
.Ltmp0:
0xad: {  	s2 =	sadd.s32 $0x2D8, s31;
	(pc) =	sbr.rel @p0 .LBB2_2-.Ltmp0, $4  }
0xae: {  	[tilespmem:s28], [sflag:$0x2] =	stream.indirect.gather [hbm4b:s3+s16], $0x20, s2, s16, $0xb8;
	[tilespmem:$0x4E00] =	vst v63  }
0xaf: {  	s2 =	sadd.s32 $0x310, s31  }
0xb0: {  	[tilespmem:s30], [sflag:$0x2] =	stream.indirect.gather [hbm4b:s3+s16], $0x20, s2, s16, $0xb8;
	[tilespmem:$0x4E00] =	vst v63  }
0xb1: {  	s29 =	sadd.s32 $0x640, s29;
	s31 =	sadd.s32 $0x348, s31  }
0xb2: {  	[tilespmem:s0], [sflag:$0x2] =	stream.indirect.gather [hbm4b:s3+s16], $0x20, s31, s16, $0xb8;
	[tilespmem:$0x4E00] =	vst v63  }
0xb3: {  	_ =	swait.ge [sflag:s1], $0x640  }
0xb4: {  	[sflag:s1] =	ssyncset.done $0x0  }
0xb5: {  	[sflag:s1] =	ssyncadd.s32 $0xFFFFF9C0  }
0xb6: {  	_ =	swait.ge [sflag:s1], $0x640  }
0xb7: {  	[sflag:s1] =	ssyncset.done $0x0  }
0xb8: {  	[sflag:s1] =	ssyncadd.s32 $0xFFFFF9C0  }
0xb9: {  	_ =	swait.ge [sflag:s1], $0x640  }
0xba: {  	[sflag:s1] =	ssyncset.done $0x0  }
0xbb: {  	[sflag:s1] =	ssyncadd.s32 $0xFFFFF9C0  }
0xbc: {  	_ =	swait.ge [sflag:s1], $0x640  }
0xbd: {  	[sflag:s1] =	ssyncset.done $0x0  }
0xbe: {  	[sflag:s1] =	ssyncadd.s32 $0xFFFFF9C0  }
0xbf: {  	[hbm4b:s5+s18] =	stream.strided.scatter [tilespmem:s17], [sflag:$0x3], $0x640, s20, s18, $0x38;
	[tilespmem:$0x4E00] =	vst v63  }
0xc0: {  	_ =	swait.ge [sflag:s15], $0x640  }
0xc1: {  	[sflag:s15] =	ssyncset.done $0x0  }
0xc2: {  	[sflag:s15] =	ssyncadd.s32 $0xFFFFF9C0  }
0xc3: {  	[hbm4b:s6+s18] =	stream.strided.scatter [tilespmem:s19], [sflag:$0x3], $0x640, s20, s18, $0x38;
	[tilespmem:$0x4E00] =	vst v63  }
0xc4: {  	_ =	swait.ge [sflag:s15], $0x640  }
0xc5: {  	[sflag:s15] =	ssyncset.done $0x0  }
0xc6: {  	[sflag:s15] =	ssyncadd.s32 $0xFFFFF9C0  }
0xc7: {  	[hbm4b:s7+s18] =	stream.strided.scatter [tilespmem:s21], [sflag:$0x3], $0x640, s20, s18, $0x38;
	[tilespmem:$0x4E00] =	vst v63  }
0xc8: {  	_ =	swait.ge [sflag:s15], $0x640  }
0xc9: {  	[sflag:s15] =	ssyncset.done $0x0  }
0xca: {  	[sflag:s15] =	ssyncadd.s32 $0xFFFFF9C0  }
0xcb: {  	[hbm4b:s8+s18] =	stream.strided.scatter [tilespmem:s23], [sflag:$0x3], $0x640, s20, s18, $0x38;
	[tilespmem:$0x4E00] =	vst v63  }
0xcc: {  	_ =	swait.ge [sflag:s15], $0x640  }
0xcd: {  	[sflag:s15] =	ssyncset.done $0x0  }
0xce: {  	[sflag:s15] =	ssyncadd.s32 $0xFFFFF9C0  }
0xcf: {  	_ =	swait.ge [sflag:s22], $0x640  }
0xd0: {  	[sflag:s22] =	ssyncset.done $0x0  }
0xd1: {  	[sflag:s22] =	ssyncadd.s32 $0xFFFFF9C0  }
0xd2: {  	_ =	swait.ge [sflag:s22], $0x640  }
0xd3: {  	[sflag:s22] =	ssyncset.done $0x0  }
0xd4: {  	[sflag:s22] =	ssyncadd.s32 $0xFFFFF9C0  }
0xd5: {  	_ =	swait.ge [sflag:s22], $0x640  }
0xd6: {  	[sflag:s22] =	ssyncset.done $0x0  }
0xd7: {  	[sflag:s22] =	ssyncadd.s32 $0xFFFFF9C0  }
0xd8: {  	_ =	swait.ge [sflag:s22], $0x640  }
0xd9: {  	[sflag:s22] =	ssyncset.done $0x0  }
0xda: {  	[sflag:s22] =	ssyncadd.s32 $0xFFFFF9C0  }
0xdb: {  	[hbm4b:s9+s18] =	stream.strided.scatter [tilespmem:s25], [sflag:$0x3], $0x640, s20, s18, $0x38;
	[tilespmem:$0x4E00] =	vst v63  }
0xdc: {  	_ =	swait.ge [sflag:s15], $0x640  }
0xdd: {  	[sflag:s15] =	ssyncset.done $0x0  }
0xde: {  	[sflag:s15] =	ssyncadd.s32 $0xFFFFF9C0  }
0xdf: {  	[hbm4b:s10+s18] =	stream.strided.scatter [tilespmem:s28], [sflag:$0x3], $0x640, s20, s18, $0x38;
	[tilespmem:$0x4E00] =	vst v63  }
0xe0: {  	_ =	swait.ge [sflag:s15], $0x640  }
0xe1: {  	[sflag:s15] =	ssyncset.done $0x0  }
0xe2: {  	[sflag:s15] =	ssyncadd.s32 $0xFFFFF9C0  }
0xe3: {  	[hbm4b:s11+s18] =	stream.strided.scatter [tilespmem:s30], [sflag:$0x3], $0x640, s20, s18, $0x38;
	[tilespmem:$0x4E00] =	vst v63  }
0xe4: {  	s24 =	sadd.s32 $0x1, s24;
	_ =	swait.ge [sflag:s15], $0x640  }
0xe5: {  	p0 =	sne.s32 s24, s13;
	[sflag:s15] =	ssyncset.done $0x0  }
.Ltmp1:
0xe6: {  	[sflag:s15] =	ssyncadd.s32 $0xFFFFF9C0;
	(pc) =	sbr.rel @p0 .LBB2_1-.Ltmp1, $4  }
0xe7: {  	[hbm4b:s12+s18] =	stream.strided.scatter [tilespmem:s0], [sflag:$0x3], $0x640, s20, s18, $0x38;
	[tilespmem:$0x4E00] =	vst v63  }
0xe8: {  	_ =	swait.ge [sflag:s15], $0x640  }
0xe9: {  	[sflag:s15] =	ssyncset.done $0x0  }
0xea: {  	[sflag:s15] =	ssyncadd.s32 $0xFFFFF9C0  }
0xeb: {  	_ =	sfence.sel $0x180000  }
0xec: {  	[bflag:$0x0] =	sbarrier.arrive $0xFFFF  }
0xed: {  	_ =	strace $0x90000047  }
0xee: {  	s0 =	stileid.u32;
	[bflag:$0x2] =	sbarrier.arrive $0xFFFF  }
0xef: {  	p0 =	sne.s32 s0, $0x0;
	s0 =	rddreg [dreg:$0x2]  }
0xf0: {  	s0 =	sadd.s32 @!p0 $0x100000, s0  }
0xf1: {  	[sflag:s0] =	ssyncadd.tile.s32 @!p0 $0x1;
	_ =	shalt  }
.Lfunc_end2:
_tile_overlayer_lowered:
.L_overlay_start_2:
0xf2: {  	(tag) =	ssettag $0x2  }
0xf3: {  	s0 =	rddreg [dreg:$0x0];
	s2 =	stileid.u32  }
0xf4: {  	s1 =	rddreg [dreg:$0x1];
	p0 =	sne.s32 s2, $0x0  }
0xf5: {  	s3 =	rddreg [dreg:$0x2];
	[bflag:$0x3] =	sbarrier.arrive $0xFFFF;
	s2 =	simm.s32 @!p0 $0x1C03  }
0xf6: {  	[timem:s3], [sflag:s2] =	dma.local @!p0 [hbm:s0], s1  }
0xf7: {  	s0 =	simm.s32 @!p0 $0x3  }
0xf8: {  	_ =	swait.ge @!p0 [sflag:s0], s1  }
0xf9: {  	s1 =	ssub.s32 @!p0 $0x0, s1;
	[sflag:s0] =	ssyncset.done @!p0 $0x0  }
0xfa: {  	[sflag:s0] =	ssyncadd.s32 @!p0 s1  }
0xfb: {  	[bflag:$0x3] =	sbarrier.arrive $0xFFFF  }
0xfc: {  	_ =	shalt  }

</sc_bundles>
